<compile_context>
chip_gen: v7x
topology: tpu7x:2x2x1
jax: 0.10.2.dev20260603
libtpu: 0.0.44.dev20260713+nightly
codegen_flags: <defaults>
</compile_context>

<pallas_src>
import functools

import jax
import jax.numpy as jnp
from jax import lax
from jax.experimental import pallas as pl
from jax.experimental.pallas import tpu as pltpu, tpu_sc as plsc

N = 32768
NRAYS = 16
NC = 2
NSUB = 16
CH = N // NSUB
SH = 11
L = 16
NV = CH // L
EPS = 1e-6
_LN2 = 0.6931471805599453
_SQRT2 = 1.4142135623730951

_mesh = plsc.VectorSubcoreMesh(
    core_axis_name="c", subcore_axis_name="s", num_cores=NC, num_subcores=NSUB
)


def _ln16(x):
    bits = lax.bitcast_convert_type(x, jnp.int32)
    e = lax.shift_right_arithmetic(bits, 23) - 127
    m = lax.bitcast_convert_type(
        (bits & 0x007FFFFF) | 0x3F800000, jnp.float32
    )
    big = m > _SQRT2
    m = jnp.where(big, m * 0.5, m)
    e = jnp.where(big, e + 1, e)
    s = (m - 1.0) / (m + 1.0)
    z = s * s
    p = 1.0 + z * (
        (1.0 / 3.0)
        + z * ((1.0 / 5.0) + z * ((1.0 / 7.0) + z * ((1.0 / 9.0) + z * (1.0 / 11.0))))
    )
    return 2.0 * s * p + e.astype(jnp.float32) * _LN2


def _body(
    cu_hbm, alpha_hbm, trans_hbm, bg_hbm, summ_hbm,
    alpha_v, ex_v, cu_v, pub_v, all_v, ci_v, r_v, bg_v,
):
    s = lax.axis_index("s")
    c = lax.axis_index("c")
    base = s * CH
    pltpu.sync_copy(alpha_hbm.at[pl.ds(base, CH)], alpha_v)
    pltpu.sync_copy(cu_hbm.at[pl.ds(0, L)], cu_v)

    def body1(v, carry):
        a = alpha_v[pl.ds(v * L, L)]
        x = jnp.minimum(jnp.maximum(1.0 - a, EPS), 1.0)
        l = _ln16(x)
        cv = plsc.cumsum(l)
        ex_v[pl.ds(v * L, L)] = (cv - l) + carry
        return carry + cv[L - 1]

    total = lax.fori_loop(0, NV, body1, jnp.float32(0.0))

    S = cu_v[...]
    in_s = (S >= base) & (S < base + CH)
    q = jnp.clip(S - base, 0, CH - 1)
    loc = plsc.load_gather(ex_v, [q])
    pub_v[0, :] = jnp.where(in_s, loc, 0.0)
    pub_v[1, :] = jnp.full((L,), total, jnp.float32)
    pltpu.sync_copy(pub_v, summ_hbm.at[s])
    plsc.subcore_barrier()
    pltpu.sync_copy(summ_hbm, all_v)

    iot = lax.iota(jnp.int32, L)
    sv = jnp.zeros((L,), jnp.float32)
    for w in range(NSUB):
        sv = sv + all_v[w, 0, :]

    c_sv = lax.shift_right_arithmetic(S, SH)
    idx1 = jnp.minimum(iot + 1, L - 1)
    last = iot == L - 1
    ci_v[...] = c_sv
    c_ev = jnp.where(last, NSUB, plsc.load_gather(ci_v, [idx1]))
    r_v[...] = sv
    ev = jnp.where(last, 0.0, plsc.load_gather(r_v, [idx1]))

    D = jnp.zeros((L,), jnp.float32)
    BD = jnp.zeros((L,), jnp.float32)
    for w in range(NSUB):
        tot_w = all_v[w, 1, :][0]
        m_ge = c_sv <= w
        D = D + jnp.where(m_ge & (w < s), tot_w, 0.0)
        BD = BD + jnp.where(m_ge & (w < c_ev), tot_w, 0.0)

    bg_v[...] = jnp.exp((ev - sv) + BD)

    @pl.when((s == 0) & (c == 0))
    def _():
        pltpu.sync_copy(bg_v, bg_hbm)

    rvec = D - sv
    rs = [rvec[j] for j in range(L)]
    cus = [S[j] for j in range(1, L)]

    def body2(v, carry):
        ex = ex_v[pl.ds(v * L, L)]
        p = (base + v * L) + iot
        acc = jnp.full((L,), rs[0], jnp.float32)
        for j in range(1, L):
            acc = jnp.where(p >= cus[j - 1], rs[j], acc)
        ex_v[pl.ds(v * L, L)] = jnp.exp(ex + acc)
        return carry

    lax.fori_loop(0, NV, body2, jnp.int32(0))

    @pl.when(c == 0)
    def _():
        pltpu.sync_copy(ex_v, trans_hbm.at[pl.ds(base, CH)])


_kernel = functools.partial(
    pl.kernel,
    out_type=(
        jax.ShapeDtypeStruct((N,), jnp.float32),
        jax.ShapeDtypeStruct((NRAYS,), jnp.float32),
        jax.ShapeDtypeStruct((NSUB, 2, L), jnp.float32),
    ),
    mesh=_mesh,
    scratch_types=[
        pltpu.VMEM((CH,), jnp.float32),
        pltpu.VMEM((CH,), jnp.float32),
        pltpu.VMEM((L,), jnp.int32),
        pltpu.VMEM((2, L), jnp.float32),
        pltpu.VMEM((NSUB, 2, L), jnp.float32),
        pltpu.VMEM((L,), jnp.int32),
        pltpu.VMEM((L,), jnp.float32),
        pltpu.VMEM((L,), jnp.float32),
    ],
    compiler_params=pltpu.CompilerParams(needs_layout_passes=False),
)(_body)


def kernel(cu_seqlens, alpha):
    transmittance, bg_transmittance, _ = _kernel(cu_seqlens, alpha)
    return transmittance, bg_transmittance

# --- scband reference (transcript-rebuilt; emitter-appended) ---
"""Pipeline reference for scband-cumprod-one-minus-alpha-to-transmittance-module-89790586290715 (READ-ONLY COPY).

The authoritative reference and input builder live on the scoring server;
editing this copy changes nothing except your own understanding.
"""

import jax, jax.numpy as jnp
import numpy as np

B = 16
MAX_SEQLEN = 4096
N = B * MAX_SEQLEN // 2  # 32768 packed ray samples


def setup_inputs(seed: int = 0) -> dict:
    key = jax.random.key(seed)
    k1, k2 = jax.random.split(key)
    interior = jnp.sort(jax.random.randint(k1, (B - 1,), 0, N)).astype(jnp.int32)
    cu_seqlens = jnp.concatenate([
        jnp.zeros((1,), jnp.int32), interior, jnp.full((1,), N, jnp.int32)
    ])
    alpha = jax.random.uniform(k2, (N,), dtype=jnp.float32, minval=0.0, maxval=1.0)
    return {"cu_seqlens": cu_seqlens, "alpha": alpha}


def reference(cu_seqlens, alpha):
    # Per-ray EXCLUSIVE cumulative product of (1 - alpha) over packed samples
    # (NeRF transmittance), plus per-ray background transmittance
    # (product of (1 - alpha) over every sample in the ray).
    n = alpha.shape[0]
    nrays = cu_seqlens.shape[0] - 1
    eps = 1e-6
    one_minus = jnp.clip(1.0 - alpha, eps, 1.0)
    logs = jnp.log(one_minus)
    # map each packed sample to its ray id
    positions = jnp.arange(n)
    segment_ids = jnp.searchsorted(cu_seqlens, positions, side='right') - 1
    segment_ids = jnp.clip(segment_ids, 0, nrays - 1)
    # global inclusive / exclusive cumulative sums in log space
    csum = jnp.cumsum(logs)
    ex_global = csum - logs  # exclusive prefix sum
    # value of the exclusive prefix at each ray start (pad for start == n)
    ex_pad = jnp.concatenate([ex_global, csum[-1:]])
    start_vals = ex_pad[cu_seqlens[:-1]]
    # per-ray exclusive cumprod via log-space rebasing
    transmittance = jnp.exp(ex_global - start_vals[segment_ids])
    # background transmittance: product over each full ray
    seg_log = jax.ops.segment_sum(logs, segment_ids, num_segments=nrays)
    bg_transmittance = jnp.exp(seg_log)
    return transmittance, bg_transmittance

if __name__ == "__main__":
    import jax
    _d = setup_inputs()
    print(jax.jit(kernel)(*tuple(_d.values())))

</pallas_src>

<mosaic_0001>
#map = affine_map<(d0, d1) -> (0)>
#map1 = affine_map<(d0, d1) -> (0, 0, 0)>
module attributes {stable_mosaic.version = 14 : i64} {
  func.func @_body(%arg0: i32, %arg1: i32, %arg2: memref<17xi32, #tpu.memory_space<hbm>>, %arg3: memref<32768xf32, #tpu.memory_space<hbm>>, %arg4: memref<32768xf32, #tpu.memory_space<hbm>>, %arg5: memref<16xf32, #tpu.memory_space<hbm>>, %arg6: memref<16x2x16xf32, #tpu.memory_space<hbm>>, %arg7: memref<2048xf32, #tpu.memory_space<vmem>>, %arg8: memref<2048xf32, #tpu.memory_space<vmem>>, %arg9: memref<16xi32, #tpu.memory_space<vmem>>, %arg10: memref<2x16xf32, #tpu.memory_space<vmem>>, %arg11: memref<16x2x16xf32, #tpu.memory_space<vmem>>, %arg12: memref<16xi32, #tpu.memory_space<vmem>>, %arg13: memref<16xf32, #tpu.memory_space<vmem>>, %arg14: memref<16xf32, #tpu.memory_space<vmem>>) attributes {dimension_semantics = [#tpu.dimension_semantics<core_parallel>, #tpu.dimension_semantics<subcore_parallel>], iteration_bounds = array<i64: 2, 16>, scalar_prefetch = 0 : i64, scratch_operands = 8 : i64, tpu.core_type = #tpu.core_type<sc_vector_subcore>, window_params = [{transform_indices = #map}, {transform_indices = #map}, {transform_indices = #map}, {transform_indices = #map}, {transform_indices = #map1}]} {
    %mul3A = arith.constant 2048 : i32
    %mul3A_0 = arith.muli %arg1, %mul3A : i32
    "tpu.region"() ({
      %run_scoped3A = tpu.sem_alloc : memref<!tpu.dma_semaphore, #tpu.memory_space<semaphore_mem>>
      %dma_start3A = tpu.memref_slice %arg3[%mul3A_0] : memref<32768xf32, #tpu.memory_space<hbm>> -> memref<2048xf32, #tpu.memory_space<hbm>>
      %dma_start3A_708 = tpu.memref_slice %arg3[%mul3A_0] : memref<32768xf32, #tpu.memory_space<hbm>> -> memref<2048xf32, #tpu.memory_space<hbm>>
      tpu.enqueue_dma source(%dma_start3A_708 : memref<2048xf32, #tpu.memory_space<hbm>>) target(%arg7 : memref<2048xf32, #tpu.memory_space<vmem>>) target_semaphore(%run_scoped3A : memref<!tpu.dma_semaphore, #tpu.memory_space<semaphore_mem>>)
      %dma_wait3A = tpu.memref_slice %arg3[%mul3A_0] : memref<32768xf32, #tpu.memory_space<hbm>> -> memref<2048xf32, #tpu.memory_space<hbm>>
      %dma_wait3A_709 = tpu.memref_slice %arg3[%mul3A_0] : memref<32768xf32, #tpu.memory_space<hbm>> -> memref<2048xf32, #tpu.memory_space<hbm>>
      tpu.wait_dma2 semaphore(%run_scoped3A : memref<!tpu.dma_semaphore, #tpu.memory_space<semaphore_mem>>) src(%dma_wait3A_709 : memref<2048xf32, #tpu.memory_space<hbm>>) dst(%arg7 : memref<2048xf32, #tpu.memory_space<vmem>>)
      tpu.yield
    }) : () -> ()
    "tpu.region"() ({
      %run_scoped3A = tpu.sem_alloc : memref<!tpu.dma_semaphore, #tpu.memory_space<semaphore_mem>>
      %dma_start3A = arith.constant 0 : i32
      %dma_start3A_708 = tpu.memref_slice %arg2[%dma_start3A] : memref<17xi32, #tpu.memory_space<hbm>> -> memref<16xi32, #tpu.memory_space<hbm>>
      %dma_start3A_709 = arith.constant 0 : i32
      %dma_start3A_710 = tpu.memref_slice %arg2[%dma_start3A_709] : memref<17xi32, #tpu.memory_space<hbm>> -> memref<16xi32, #tpu.memory_space<hbm>>
      tpu.enqueue_dma source(%dma_start3A_710 : memref<16xi32, #tpu.memory_space<hbm>>) target(%arg9 : memref<16xi32, #tpu.memory_space<vmem>>) target_semaphore(%run_scoped3A : memref<!tpu.dma_semaphore, #tpu.memory_space<semaphore_mem>>)
      %dma_wait3A = arith.constant 0 : i32
      %dma_wait3A_711 = tpu.memref_slice %arg2[%dma_wait3A] : memref<17xi32, #tpu.memory_space<hbm>> -> memref<16xi32, #tpu.memory_space<hbm>>
      %dma_wait3A_712 = arith.constant 0 : i32
      %dma_wait3A_713 = tpu.memref_slice %arg2[%dma_wait3A_712] : memref<17xi32, #tpu.memory_space<hbm>> -> memref<16xi32, #tpu.memory_space<hbm>>
      tpu.wait_dma2 semaphore(%run_scoped3A : memref<!tpu.dma_semaphore, #tpu.memory_space<semaphore_mem>>) src(%dma_wait3A_713 : memref<16xi32, #tpu.memory_space<hbm>>) dst(%arg9 : memref<16xi32, #tpu.memory_space<vmem>>)
      tpu.yield
    }) : () -> ()
    %scan3A = arith.constant 0.000000e+00 : f32
    %scan3A_1 = arith.constant 0 : i32
    %scan3A_2 = arith.constant 128 : i32
    %scan3A_3 = arith.addi %scan3A_1, %scan3A_2 : i32
    %scan3A_4 = arith.constant 1 : i32
    %scan3A_5 = scf.for %scan3A_708 = %scan3A_1 to %scan3A_3 step %scan3A_4 iter_args(%scan3A_709 = %scan3A) -> (f32)  : i32 {
      %mul3A_710 = arith.constant 16 : i32
      %mul3A_711 = arith.muli %scan3A_708, %mul3A_710 : i32
      %get3A_712 = arith.index_cast %mul3A_711 : i32 to index
      %get3A_713 = tpu.vector_load %arg7[%get3A_712] {strides = array<i32>} : memref<2048xf32, #tpu.memory_space<vmem>>, vector<16xf32>,
      %sub3A_714 = arith.constant 1.000000e+00 : f32
      %sub3A_715 = vector.broadcast %sub3A_714 : f32 to vector<16xf32>
      %sub3A_716 = arith.subf %sub3A_715, %get3A_713 : vector<16xf32>
      %max3A_717 = arith.constant 9.99999997E-7 : f32
      %max3A_718 = vector.broadcast %max3A_717 : f32 to vector<16xf32>
      %max3A_719 = arith.maximumf %sub3A_716, %max3A_718 : vector<16xf32>
      %min3A_720 = arith.constant 1.000000e+00 : f32
      %min3A_721 = vector.broadcast %min3A_720 : f32 to vector<16xf32>
      %min3A_722 = arith.minimumf %max3A_719, %min3A_721 : vector<16xf32>
      %bitcast_convert_type3A = tpu.bitcast %min3A_722 : vector<16xf32> -> vector<16xi32>
      %shift_right_arithmetic3A_723 = arith.constant 23 : i32
      %shift_right_arithmetic3A_724 = vector.broadcast %shift_right_arithmetic3A_723 : i32 to vector<16xi32>
      %shift_right_arithmetic3A_725 = arith.shrsi %bitcast_convert_type3A, %shift_right_arithmetic3A_724 : vector<16xi32>
      %sub3A_726 = arith.constant 127 : i32
      %sub3A_727 = vector.broadcast %sub3A_726 : i32 to vector<16xi32>
      %sub3A_728 = arith.subi %shift_right_arithmetic3A_725, %sub3A_727 : vector<16xi32>
      %and3A_729 = arith.constant 8388607 : i32
      %and3A_730 = vector.broadcast %and3A_729 : i32 to vector<16xi32>
      %and3A_731 = arith.andi %bitcast_convert_type3A, %and3A_730 : vector<16xi32>
      %or3A = arith.constant 1065353216 : i32
      %or3A_732 = vector.broadcast %or3A : i32 to vector<16xi32>
      %or3A_733 = arith.ori %and3A_731, %or3A_732 : vector<16xi32>
      %bitcast_convert_type3A_734 = tpu.bitcast %or3A_733 : vector<16xi32> -> vector<16xf32>
      %gt3A_735 = arith.constant 1.41421354 : f32
      %gt3A_736 = vector.broadcast %gt3A_735 : f32 to vector<16xf32>
      %gt3A_737 = arith.cmpf ogt, %bitcast_convert_type3A_734, %gt3A_736 : vector<16xf32>
      %mul3A_738 = arith.constant 5.000000e-01 : f32
      %mul3A_739 = vector.broadcast %mul3A_738 : f32 to vector<16xf32>
      %mul3A_740 = arith.mulf %bitcast_convert_type3A_734, %mul3A_739 : vector<16xf32>
      %select_n3A_741 = arith.select %gt3A_737, %mul3A_740, %bitcast_convert_type3A_734 : vector<16xi1>, vector<16xf32>
      %add3A_742 = arith.constant 1 : i32
      %add3A_743 = vector.broadcast %add3A_742 : i32 to vector<16xi32>
      %add3A_744 = arith.addi %sub3A_728, %add3A_743 : vector<16xi32>
      %select_n3A_745 = arith.select %gt3A_737, %add3A_744, %sub3A_728 : vector<16xi1>, vector<16xi32>
      %sub3A_746 = arith.constant 1.000000e+00 : f32
      %sub3A_747 = vector.broadcast %sub3A_746 : f32 to vector<16xf32>
      %sub3A_748 = arith.subf %select_n3A_741, %sub3A_747 : vector<16xf32>
      %add3A_749 = arith.constant 1.000000e+00 : f32
      %add3A_750 = vector.broadcast %add3A_749 : f32 to vector<16xf32>
      %add3A_751 = arith.addf %select_n3A_741, %add3A_750 : vector<16xf32>
      %div3A = arith.divf %sub3A_748, %add3A_751 : vector<16xf32>
      %mul3A_752 = arith.mulf %div3A, %div3A : vector<16xf32>
      %mul3A_753 = arith.constant 0.0909090936 : f32
      %mul3A_754 = vector.broadcast %mul3A_753 : f32 to vector<16xf32>
      %mul3A_755 = arith.mulf %mul3A_752, %mul3A_754 : vector<16xf32>
      %add3A_756 = arith.constant 0.111111112 : f32
      %add3A_757 = vector.broadcast %add3A_756 : f32 to vector<16xf32>
      %add3A_758 = arith.addf %add3A_757, %mul3A_755 : vector<16xf32>
      %mul3A_759 = arith.mulf %mul3A_752, %add3A_758 : vector<16xf32>
      %add3A_760 = arith.constant 0.142857149 : f32
      %add3A_761 = vector.broadcast %add3A_760 : f32 to vector<16xf32>
      %add3A_762 = arith.addf %add3A_761, %mul3A_759 : vector<16xf32>
      %mul3A_763 = arith.mulf %mul3A_752, %add3A_762 : vector<16xf32>
      %add3A_764 = arith.constant 2.000000e-01 : f32
      %add3A_765 = vector.broadcast %add3A_764 : f32 to vector<16xf32>
      %add3A_766 = arith.addf %add3A_765, %mul3A_763 : vector<16xf32>
      %mul3A_767 = arith.mulf %mul3A_752, %add3A_766 : vector<16xf32>
      %add3A_768 = arith.constant 0.333333343 : f32
      %add3A_769 = vector.broadcast %add3A_768 : f32 to vector<16xf32>
      %add3A_770 = arith.addf %add3A_769, %mul3A_767 : vector<16xf32>
      %mul3A_771 = arith.mulf %mul3A_752, %add3A_770 : vector<16xf32>
      %add3A_772 = arith.constant 1.000000e+00 : f32
      %add3A_773 = vector.broadcast %add3A_772 : f32 to vector<16xf32>
      %add3A_774 = arith.addf %add3A_773, %mul3A_771 : vector<16xf32>
      %mul3A_775 = arith.constant 2.000000e+00 : f32
      %mul3A_776 = vector.broadcast %mul3A_775 : f32 to vector<16xf32>
      %mul3A_777 = arith.mulf %mul3A_776, %div3A : vector<16xf32>
      %mul3A_778 = arith.mulf %mul3A_777, %add3A_774 : vector<16xf32>
      %convert_element_type3A_779 = arith.sitofp %select_n3A_745 : vector<16xi32> to vector<16xf32>
      %mul3A_780 = arith.constant 0.693147182 : f32
      %mul3A_781 = vector.broadcast %mul3A_780 : f32 to vector<16xf32>
      %mul3A_782 = arith.mulf %convert_element_type3A_779, %mul3A_781 : vector<16xf32>
      %add3A_783 = arith.addf %mul3A_778, %mul3A_782 : vector<16xf32>
      %broadcast_in_dim3A_784 = arith.constant true
      %broadcast_in_dim3A_785 = vector.broadcast %broadcast_in_dim3A_784 : i1 to vector<16xi1>
      %masked_cumsum3A = tpu.scan <sum>, %add3A_783 masked %broadcast_in_dim3A_785 : vector<16xf32>, vector<16xi1> -> vector<16xf32>
      %sub3A_786 = arith.subf %masked_cumsum3A, %add3A_783 : vector<16xf32>
      %add3A_787 = vector.broadcast %scan3A_709 : f32 to vector<16xf32>
      %add3A_788 = arith.addf %sub3A_786, %add3A_787 : vector<16xf32>
      %mul3A_789 = arith.constant 16 : i32
      %mul3A_790 = arith.muli %scan3A_708, %mul3A_789 : i32
      %swap3A_791 = arith.index_cast %mul3A_790 : i32 to index
      %swap3A_792 = tpu.vector_load %arg8[%swap3A_791] {strides = array<i32>} : memref<2048xf32, #tpu.memory_space<vmem>>, vector<16xf32>,
      tpu.vector_store %arg8[%swap3A_791], %add3A_788 {strides = array<i32>} : memref<2048xf32, #tpu.memory_space<vmem>>, vector<16xf32>,
      %slice3A_793 = vector.extract_strided_slice %masked_cumsum3A {offsets = [15], sizes = [1], strides = [1]} : vector<16xf32> to vector<1xf32>
      %squeeze3A_794 = vector.extract %slice3A_793[0] : f32 from vector<1xf32>
      %add3A_795 = arith.addf %scan3A_709, %squeeze3A_794 : f32
      scf.yield %add3A_795 : f32
    }
    %scan3A_6 = arith.constant 128 : i32
    %get3A = arith.constant 0 : index
    %get3A_7 = tpu.vector_load %arg9[%get3A] {strides = array<i32>} : memref<16xi32, #tpu.memory_space<vmem>>, vector<16xi32>,
    %ge3A = vector.broadcast %mul3A_0 : i32 to vector<16xi32>
    %ge3A_8 = arith.cmpi sge, %get3A_7, %ge3A : vector<16xi32>
    %add3A = arith.constant 2048 : i32
    %add3A_9 = arith.addi %mul3A_0, %add3A : i32
    %lt3A = vector.broadcast %add3A_9 : i32 to vector<16xi32>
    %lt3A_10 = arith.cmpi slt, %get3A_7, %lt3A : vector<16xi32>
    %and3A = arith.andi %ge3A_8, %lt3A_10 : vector<16xi1>
    %sub3A = vector.broadcast %mul3A_0 : i32 to vector<16xi32>
    %sub3A_11 = arith.subi %get3A_7, %sub3A : vector<16xi32>
    %jit3A = arith.constant 0 : i32
    %jit3A_12 = arith.constant 2047 : i32
    %max3A = vector.broadcast %jit3A : i32 to vector<16xi32>
    %max3A_13 = arith.maxsi %max3A, %sub3A_11 : vector<16xi32>
    %min3A = vector.broadcast %jit3A_12 : i32 to vector<16xi32>
    %min3A_14 = arith.minsi %min3A, %max3A_13 : vector<16xi32>
    %gather3A = tpu.vector_load_idx %arg8[%min3A_14] : memref<2048xf32, #tpu.memory_space<vmem>>[vector<16xi32>], vector<16xf32>,
    %jit3A_15 = arith.constant 0.000000e+00 : f32
    %broadcast_in_dim3A = vector.broadcast %jit3A_15 : f32 to vector<16xf32>
    %select_n3A = arith.select %and3A, %gather3A, %broadcast_in_dim3A : vector<16xi1>, vector<16xf32>
    %swap3A = arith.constant 0 : i32
    %swap3A_16 = arith.index_cast %swap3A : i32 to index
    %swap3A_17 = arith.constant 0 : index
    %swap3A_18 = tpu.vector_load %arg10[%swap3A_16, %swap3A_17] {strides = array<i32>} : memref<2x16xf32, #tpu.memory_space<vmem>>, vector<16xf32>,
    tpu.vector_store %arg10[%swap3A_16, %swap3A_17], %select_n3A {strides = array<i32>} : memref<2x16xf32, #tpu.memory_space<vmem>>, vector<16xf32>,
    %broadcast_in_dim3A_19 = vector.broadcast %scan3A_5 : f32 to vector<16xf32>
    %swap3A_20 = arith.constant 1 : i32
    %swap3A_21 = arith.index_cast %swap3A_20 : i32 to index
    %swap3A_22 = arith.constant 0 : index
    %swap3A_23 = tpu.vector_load %arg10[%swap3A_21, %swap3A_22] {strides = array<i32>} : memref<2x16xf32, #tpu.memory_space<vmem>>, vector<16xf32>,
    tpu.vector_store %arg10[%swap3A_21, %swap3A_22], %broadcast_in_dim3A_19 {strides = array<i32>} : memref<2x16xf32, #tpu.memory_space<vmem>>, vector<16xf32>,
    "tpu.region"() ({
      %run_scoped3A = tpu.sem_alloc : memref<!tpu.dma_semaphore, #tpu.memory_space<semaphore_mem>>
      %dma_start3A = arith.constant 0 : i32
      %dma_start3A_708 = arith.constant 0 : i32
      %dma_start3A_709 = tpu.memref_slice %arg6[%arg1, %dma_start3A, %dma_start3A_708] : memref<16x2x16xf32, #tpu.memory_space<hbm>> -> memref<1x2x16xf32, #tpu.memory_space<hbm>>
      %dma_start3A_710 = tpu.memref_squeeze %dma_start3A_709 : memref<1x2x16xf32, #tpu.memory_space<hbm>> -> memref<2x16xf32, #tpu.memory_space<hbm>>
      %dma_start3A_711 = arith.constant 0 : i32
      %dma_start3A_712 = arith.constant 0 : i32
      %dma_start3A_713 = tpu.memref_slice %arg6[%arg1, %dma_start3A_711, %dma_start3A_712] : memref<16x2x16xf32, #tpu.memory_space<hbm>> -> memref<1x2x16xf32, #tpu.memory_space<hbm>>
      %dma_start3A_714 = tpu.memref_squeeze %dma_start3A_713 : memref<1x2x16xf32, #tpu.memory_space<hbm>> -> memref<2x16xf32, #tpu.memory_space<hbm>>
      tpu.enqueue_dma source(%arg10 : memref<2x16xf32, #tpu.memory_space<vmem>>) target(%dma_start3A_714 : memref<2x16xf32, #tpu.memory_space<hbm>>) target_semaphore(%run_scoped3A : memref<!tpu.dma_semaphore, #tpu.memory_space<semaphore_mem>>)
      %dma_wait3A = arith.constant 0 : i32
      %dma_wait3A_715 = arith.constant 0 : i32
      %dma_wait3A_716 = tpu.memref_slice %arg6[%arg1, %dma_wait3A, %dma_wait3A_715] : memref<16x2x16xf32, #tpu.memory_space<hbm>> -> memref<1x2x16xf32, #tpu.memory_space<hbm>>
      %dma_wait3A_717 = tpu.memref_squeeze %dma_wait3A_716 : memref<1x2x16xf32, #tpu.memory_space<hbm>> -> memref<2x16xf32, #tpu.memory_space<hbm>>
      %dma_wait3A_718 = arith.constant 0 : i32
      %dma_wait3A_719 = arith.constant 0 : i32
      %dma_wait3A_720 = tpu.memref_slice %arg6[%arg1, %dma_wait3A_718, %dma_wait3A_719] : memref<16x2x16xf32, #tpu.memory_space<hbm>> -> memref<1x2x16xf32, #tpu.memory_space<hbm>>
      %dma_wait3A_721 = tpu.memref_squeeze %dma_wait3A_720 : memref<1x2x16xf32, #tpu.memory_space<hbm>> -> memref<2x16xf32, #tpu.memory_space<hbm>>
      tpu.wait_dma2 semaphore(%run_scoped3A : memref<!tpu.dma_semaphore, #tpu.memory_space<semaphore_mem>>) src(%arg10 : memref<2x16xf32, #tpu.memory_space<vmem>>) dst(%dma_wait3A_721 : memref<2x16xf32, #tpu.memory_space<hbm>>)
      tpu.yield
    }) : () -> ()
    %barrier3A = arith.constant 0 : index
    tpu.barrier barrier_id(%barrier3A)
    "tpu.region"() ({
      %run_scoped3A = tpu.sem_alloc : memref<!tpu.dma_semaphore, #tpu.memory_space<semaphore_mem>>
      tpu.enqueue_dma source(%arg6 : memref<16x2x16xf32, #tpu.memory_space<hbm>>) target(%arg11 : memref<16x2x16xf32, #tpu.memory_space<vmem>>) target_semaphore(%run_scoped3A : memref<!tpu.dma_semaphore, #tpu.memory_space<semaphore_mem>>)
      tpu.wait_dma2 semaphore(%run_scoped3A : memref<!tpu.dma_semaphore, #tpu.memory_space<semaphore_mem>>) src(%arg6 : memref<16x2x16xf32, #tpu.memory_space<hbm>>) dst(%arg11 : memref<16x2x16xf32, #tpu.memory_space<vmem>>)
      tpu.yield
    }) : () -> ()
    %iota3A = tpu.iota {dimensions = array<i32: 0>} : vector<16xi32>
    %broadcast_in_dim3A_24 = arith.constant 0.000000e+00 : f32
    %broadcast_in_dim3A_25 = vector.broadcast %broadcast_in_dim3A_24 : f32 to vector<16xf32>
    %get3A_26 = arith.constant 0 : i32
    %get3A_27 = arith.constant 0 : i32
    %get3A_28 = arith.index_cast %get3A_26 : i32 to index
    %get3A_29 = arith.index_cast %get3A_27 : i32 to index
    %get3A_30 = arith.constant 0 : index
    %get3A_31 = tpu.vector_load %arg11[%get3A_28, %get3A_29, %get3A_30] {strides = array<i32>} : memref<16x2x16xf32, #tpu.memory_space<vmem>>, vector<16xf32>,
    %add3A_32 = arith.addf %broadcast_in_dim3A_25, %get3A_31 : vector<16xf32>
    %get3A_33 = arith.constant 1 : i32
    %get3A_34 = arith.constant 0 : i32
    %get3A_35 = arith.index_cast %get3A_33 : i32 to index
    %get3A_36 = arith.index_cast %get3A_34 : i32 to index
    %get3A_37 = arith.constant 0 : index
    %get3A_38 = tpu.vector_load %arg11[%get3A_35, %get3A_36, %get3A_37] {strides = array<i32>} : memref<16x2x16xf32, #tpu.memory_space<vmem>>, vector<16xf32>,
    %add3A_39 = arith.addf %add3A_32, %get3A_38 : vector<16xf32>
    %get3A_40 = arith.constant 2 : i32
    %get3A_41 = arith.constant 0 : i32
    %get3A_42 = arith.index_cast %get3A_40 : i32 to index
    %get3A_43 = arith.index_cast %get3A_41 : i32 to index
    %get3A_44 = arith.constant 0 : index
    %get3A_45 = tpu.vector_load %arg11[%get3A_42, %get3A_43, %get3A_44] {strides = array<i32>} : memref<16x2x16xf32, #tpu.memory_space<vmem>>, vector<16xf32>,
    %add3A_46 = arith.addf %add3A_39, %get3A_45 : vector<16xf32>
    %get3A_47 = arith.constant 3 : i32
    %get3A_48 = arith.constant 0 : i32
    %get3A_49 = arith.index_cast %get3A_47 : i32 to index
    %get3A_50 = arith.index_cast %get3A_48 : i32 to index
    %get3A_51 = arith.constant 0 : index
    %get3A_52 = tpu.vector_load %arg11[%get3A_49, %get3A_50, %get3A_51] {strides = array<i32>} : memref<16x2x16xf32, #tpu.memory_space<vmem>>, vector<16xf32>,
    %add3A_53 = arith.addf %add3A_46, %get3A_52 : vector<16xf32>
    %get3A_54 = arith.constant 4 : i32
    %get3A_55 = arith.constant 0 : i32
    %get3A_56 = arith.index_cast %get3A_54 : i32 to index
    %get3A_57 = arith.index_cast %get3A_55 : i32 to index
    %get3A_58 = arith.constant 0 : index
    %get3A_59 = tpu.vector_load %arg11[%get3A_56, %get3A_57, %get3A_58] {strides = array<i32>} : memref<16x2x16xf32, #tpu.memory_space<vmem>>, vector<16xf32>,
    %add3A_60 = arith.addf %add3A_53, %get3A_59 : vector<16xf32>
    %get3A_61 = arith.constant 5 : i32
    %get3A_62 = arith.constant 0 : i32
    %get3A_63 = arith.index_cast %get3A_61 : i32 to index
    %get3A_64 = arith.index_cast %get3A_62 : i32 to index
    %get3A_65 = arith.constant 0 : index
    %get3A_66 = tpu.vector_load %arg11[%get3A_63, %get3A_64, %get3A_65] {strides = array<i32>} : memref<16x2x16xf32, #tpu.memory_space<vmem>>, vector<16xf32>,
    %add3A_67 = arith.addf %add3A_60, %get3A_66 : vector<16xf32>
    %get3A_68 = arith.constant 6 : i32
    %get3A_69 = arith.constant 0 : i32
    %get3A_70 = arith.index_cast %get3A_68 : i32 to index
    %get3A_71 = arith.index_cast %get3A_69 : i32 to index
    %get3A_72 = arith.constant 0 : index
    %get3A_73 = tpu.vector_load %arg11[%get3A_70, %get3A_71, %get3A_72] {strides = array<i32>} : memref<16x2x16xf32, #tpu.memory_space<vmem>>, vector<16xf32>,
    %add3A_74 = arith.addf %add3A_67, %get3A_73 : vector<16xf32>
    %get3A_75 = arith.constant 7 : i32
    %get3A_76 = arith.constant 0 : i32
    %get3A_77 = arith.index_cast %get3A_75 : i32 to index
    %get3A_78 = arith.index_cast %get3A_76 : i32 to index
    %get3A_79 = arith.constant 0 : index
    %get3A_80 = tpu.vector_load %arg11[%get3A_77, %get3A_78, %get3A_79] {strides = array<i32>} : memref<16x2x16xf32, #tpu.memory_space<vmem>>, vector<16xf32>,
    %add3A_81 = arith.addf %add3A_74, %get3A_80 : vector<16xf32>
    %get3A_82 = arith.constant 8 : i32
    %get3A_83 = arith.constant 0 : i32
    %get3A_84 = arith.index_cast %get3A_82 : i32 to index
    %get3A_85 = arith.index_cast %get3A_83 : i32 to index
    %get3A_86 = arith.constant 0 : index
    %get3A_87 = tpu.vector_load %arg11[%get3A_84, %get3A_85, %get3A_86] {strides = array<i32>} : memref<16x2x16xf32, #tpu.memory_space<vmem>>, vector<16xf32>,
    %add3A_88 = arith.addf %add3A_81, %get3A_87 : vector<16xf32>
    %get3A_89 = arith.constant 9 : i32
    %get3A_90 = arith.constant 0 : i32
    %get3A_91 = arith.index_cast %get3A_89 : i32 to index
    %get3A_92 = arith.index_cast %get3A_90 : i32 to index
    %get3A_93 = arith.constant 0 : index
    %get3A_94 = tpu.vector_load %arg11[%get3A_91, %get3A_92, %get3A_93] {strides = array<i32>} : memref<16x2x16xf32, #tpu.memory_space<vmem>>, vector<16xf32>,
    %add3A_95 = arith.addf %add3A_88, %get3A_94 : vector<16xf32>
    %get3A_96 = arith.constant 10 : i32
    %get3A_97 = arith.constant 0 : i32
    %get3A_98 = arith.index_cast %get3A_96 : i32 to index
    %get3A_99 = arith.index_cast %get3A_97 : i32 to index
    %get3A_100 = arith.constant 0 : index
    %get3A_101 = tpu.vector_load %arg11[%get3A_98, %get3A_99, %get3A_100] {strides = array<i32>} : memref<16x2x16xf32, #tpu.memory_space<vmem>>, vector<16xf32>,
    %add3A_102 = arith.addf %add3A_95, %get3A_101 : vector<16xf32>
    %get3A_103 = arith.constant 11 : i32
    %get3A_104 = arith.constant 0 : i32
    %get3A_105 = arith.index_cast %get3A_103 : i32 to index
    %get3A_106 = arith.index_cast %get3A_104 : i32 to index
    %get3A_107 = arith.constant 0 : index
    %get3A_108 = tpu.vector_load %arg11[%get3A_105, %get3A_106, %get3A_107] {strides = array<i32>} : memref<16x2x16xf32, #tpu.memory_space<vmem>>, vector<16xf32>,
    %add3A_109 = arith.addf %add3A_102, %get3A_108 : vector<16xf32>
    %get3A_110 = arith.constant 12 : i32
    %get3A_111 = arith.constant 0 : i32
    %get3A_112 = arith.index_cast %get3A_110 : i32 to index
    %get3A_113 = arith.index_cast %get3A_111 : i32 to index
    %get3A_114 = arith.constant 0 : index
    %get3A_115 = tpu.vector_load %arg11[%get3A_112, %get3A_113, %get3A_114] {strides = array<i32>} : memref<16x2x16xf32, #tpu.memory_space<vmem>>, vector<16xf32>,
    %add3A_116 = arith.addf %add3A_109, %get3A_115 : vector<16xf32>
    %get3A_117 = arith.constant 13 : i32
    %get3A_118 = arith.constant 0 : i32
    %get3A_119 = arith.index_cast %get3A_117 : i32 to index
    %get3A_120 = arith.index_cast %get3A_118 : i32 to index
    %get3A_121 = arith.constant 0 : index
    %get3A_122 = tpu.vector_load %arg11[%get3A_119, %get3A_120, %get3A_121] {strides = array<i32>} : memref<16x2x16xf32, #tpu.memory_space<vmem>>, vector<16xf32>,
    %add3A_123 = arith.addf %add3A_116, %get3A_122 : vector<16xf32>
    %get3A_124 = arith.constant 14 : i32
    %get3A_125 = arith.constant 0 : i32
    %get3A_126 = arith.index_cast %get3A_124 : i32 to index
    %get3A_127 = arith.index_cast %get3A_125 : i32 to index
    %get3A_128 = arith.constant 0 : index
    %get3A_129 = tpu.vector_load %arg11[%get3A_126, %get3A_127, %get3A_128] {strides = array<i32>} : memref<16x2x16xf32, #tpu.memory_space<vmem>>, vector<16xf32>,
    %add3A_130 = arith.addf %add3A_123, %get3A_129 : vector<16xf32>
    %get3A_131 = arith.constant 15 : i32
    %get3A_132 = arith.constant 0 : i32
    %get3A_133 = arith.index_cast %get3A_131 : i32 to index
    %get3A_134 = arith.index_cast %get3A_132 : i32 to index
    %get3A_135 = arith.constant 0 : index
    %get3A_136 = tpu.vector_load %arg11[%get3A_133, %get3A_134, %get3A_135] {strides = array<i32>} : memref<16x2x16xf32, #tpu.memory_space<vmem>>, vector<16xf32>,
    %add3A_137 = arith.addf %add3A_130, %get3A_136 : vector<16xf32>
    %shift_right_arithmetic3A = arith.constant 11 : i32
    %shift_right_arithmetic3A_138 = vector.broadcast %shift_right_arithmetic3A : i32 to vector<16xi32>
    %shift_right_arithmetic3A_139 = arith.shrsi %get3A_7, %shift_right_arithmetic3A_138 : vector<16xi32>
    %add3A_140 = arith.constant 1 : i32
    %add3A_141 = vector.broadcast %add3A_140 : i32 to vector<16xi32>
    %add3A_142 = arith.addi %iota3A, %add3A_141 : vector<16xi32>
    %min3A_143 = arith.constant 15 : i32
    %min3A_144 = vector.broadcast %min3A_143 : i32 to vector<16xi32>
    %min3A_145 = arith.minsi %add3A_142, %min3A_144 : vector<16xi32>
    %eq3A = arith.constant 15 : i32
    %eq3A_146 = vector.broadcast %eq3A : i32 to vector<16xi32>
    %eq3A_147 = arith.cmpi eq, %iota3A, %eq3A_146 : vector<16xi32>
    %swap3A_148 = arith.constant 0 : index
    %swap3A_149 = tpu.vector_load %arg12[%swap3A_148] {strides = array<i32>} : memref<16xi32, #tpu.memory_space<vmem>>, vector<16xi32>,
    tpu.vector_store %arg12[%swap3A_148], %shift_right_arithmetic3A_139 {strides = array<i32>} : memref<16xi32, #tpu.memory_space<vmem>>, vector<16xi32>,
    %gather3A_150 = tpu.vector_load_idx %arg12[%min3A_145] : memref<16xi32, #tpu.memory_space<vmem>>[vector<16xi32>], vector<16xi32>,
    %jit3A_151 = arith.constant 16 : i32
    %broadcast_in_dim3A_152 = vector.broadcast %jit3A_151 : i32 to vector<16xi32>
    %select_n3A_153 = arith.select %eq3A_147, %broadcast_in_dim3A_152, %gather3A_150 : vector<16xi1>, vector<16xi32>
    %swap3A_154 = arith.constant 0 : index
    %swap3A_155 = tpu.vector_load %arg13[%swap3A_154] {strides = array<i32>} : memref<16xf32, #tpu.memory_space<vmem>>, vector<16xf32>,
    tpu.vector_store %arg13[%swap3A_154], %add3A_137 {strides = array<i32>} : memref<16xf32, #tpu.memory_space<vmem>>, vector<16xf32>,
    %gather3A_156 = tpu.vector_load_idx %arg13[%min3A_145] : memref<16xf32, #tpu.memory_space<vmem>>[vector<16xi32>], vector<16xf32>,
    %jit3A_157 = arith.constant 0.000000e+00 : f32
    %broadcast_in_dim3A_158 = vector.broadcast %jit3A_157 : f32 to vector<16xf32>
    %select_n3A_159 = arith.select %eq3A_147, %broadcast_in_dim3A_158, %gather3A_156 : vector<16xi1>, vector<16xf32>
    %broadcast_in_dim3A_160 = arith.constant 0.000000e+00 : f32
    %broadcast_in_dim3A_161 = vector.broadcast %broadcast_in_dim3A_160 : f32 to vector<16xf32>
    %broadcast_in_dim3A_162 = arith.constant 0.000000e+00 : f32
    %broadcast_in_dim3A_163 = vector.broadcast %broadcast_in_dim3A_162 : f32 to vector<16xf32>
    %get3A_164 = arith.constant 0 : i32
    %get3A_165 = arith.constant 1 : i32
    %get3A_166 = arith.index_cast %get3A_164 : i32 to index
    %get3A_167 = arith.index_cast %get3A_165 : i32 to index
    %get3A_168 = arith.constant 0 : index
    %get3A_169 = tpu.vector_load %arg11[%get3A_166, %get3A_167, %get3A_168] {strides = array<i32>} : memref<16x2x16xf32, #tpu.memory_space<vmem>>, vector<16xf32>,
    %slice3A = vector.extract_strided_slice %get3A_169 {offsets = [0], sizes = [1], strides = [1]} : vector<16xf32> to vector<1xf32>
    %squeeze3A = vector.extract %slice3A[0] : f32 from vector<1xf32>
    %le3A = arith.constant 0 : i32
    %le3A_170 = vector.broadcast %le3A : i32 to vector<16xi32>
    %le3A_171 = arith.cmpi sle, %shift_right_arithmetic3A_139, %le3A_170 : vector<16xi32>
    %gt3A = arith.constant 0 : i32
    %gt3A_172 = arith.cmpi sgt, %arg1, %gt3A : i32
    %and3A_173 = vector.broadcast %gt3A_172 : i1 to vector<16xi1>
    %and3A_174 = arith.andi %le3A_171, %and3A_173 : vector<16xi1>
    %jit3A_175 = arith.constant 0.000000e+00 : f32
    %broadcast_in_dim3A_176 = vector.broadcast %squeeze3A : f32 to vector<16xf32>
    %broadcast_in_dim3A_177 = vector.broadcast %jit3A_175 : f32 to vector<16xf32>
    %select_n3A_178 = arith.select %and3A_174, %broadcast_in_dim3A_176, %broadcast_in_dim3A_177 : vector<16xi1>, vector<16xf32>
    %add3A_179 = arith.addf %broadcast_in_dim3A_161, %select_n3A_178 : vector<16xf32>
    %gt3A_180 = arith.constant 0 : i32
    %gt3A_181 = vector.broadcast %gt3A_180 : i32 to vector<16xi32>
    %gt3A_182 = arith.cmpi sgt, %select_n3A_153, %gt3A_181 : vector<16xi32>
    %and3A_183 = arith.andi %le3A_171, %gt3A_182 : vector<16xi1>
    %jit3A_184 = arith.constant 0.000000e+00 : f32
    %broadcast_in_dim3A_185 = vector.broadcast %squeeze3A : f32 to vector<16xf32>
    %broadcast_in_dim3A_186 = vector.broadcast %jit3A_184 : f32 to vector<16xf32>
    %select_n3A_187 = arith.select %and3A_183, %broadcast_in_dim3A_185, %broadcast_in_dim3A_186 : vector<16xi1>, vector<16xf32>
    %add3A_188 = arith.addf %broadcast_in_dim3A_163, %select_n3A_187 : vector<16xf32>
    %get3A_189 = arith.constant 1 : i32
    %get3A_190 = arith.constant 1 : i32
    %get3A_191 = arith.index_cast %get3A_189 : i32 to index
    %get3A_192 = arith.index_cast %get3A_190 : i32 to index
    %get3A_193 = arith.constant 0 : index
    %get3A_194 = tpu.vector_load %arg11[%get3A_191, %get3A_192, %get3A_193] {strides = array<i32>} : memref<16x2x16xf32, #tpu.memory_space<vmem>>, vector<16xf32>,
    %slice3A_195 = vector.extract_strided_slice %get3A_194 {offsets = [0], sizes = [1], strides = [1]} : vector<16xf32> to vector<1xf32>
    %squeeze3A_196 = vector.extract %slice3A_195[0] : f32 from vector<1xf32>
    %le3A_197 = arith.constant 1 : i32
    %le3A_198 = vector.broadcast %le3A_197 : i32 to vector<16xi32>
    %le3A_199 = arith.cmpi sle, %shift_right_arithmetic3A_139, %le3A_198 : vector<16xi32>
    %gt3A_200 = arith.constant 1 : i32
    %gt3A_201 = arith.cmpi sgt, %arg1, %gt3A_200 : i32
    %and3A_202 = vector.broadcast %gt3A_201 : i1 to vector<16xi1>
    %and3A_203 = arith.andi %le3A_199, %and3A_202 : vector<16xi1>
    %jit3A_204 = arith.constant 0.000000e+00 : f32
    %broadcast_in_dim3A_205 = vector.broadcast %squeeze3A_196 : f32 to vector<16xf32>
    %broadcast_in_dim3A_206 = vector.broadcast %jit3A_204 : f32 to vector<16xf32>
    %select_n3A_207 = arith.select %and3A_203, %broadcast_in_dim3A_205, %broadcast_in_dim3A_206 : vector<16xi1>, vector<16xf32>
    %add3A_208 = arith.addf %add3A_179, %select_n3A_207 : vector<16xf32>
    %gt3A_209 = arith.constant 1 : i32
    %gt3A_210 = vector.broadcast %gt3A_209 : i32 to vector<16xi32>
    %gt3A_211 = arith.cmpi sgt, %select_n3A_153, %gt3A_210 : vector<16xi32>
    %and3A_212 = arith.andi %le3A_199, %gt3A_211 : vector<16xi1>
    %jit3A_213 = arith.constant 0.000000e+00 : f32
    %broadcast_in_dim3A_214 = vector.broadcast %squeeze3A_196 : f32 to vector<16xf32>
    %broadcast_in_dim3A_215 = vector.broadcast %jit3A_213 : f32 to vector<16xf32>
    %select_n3A_216 = arith.select %and3A_212, %broadcast_in_dim3A_214, %broadcast_in_dim3A_215 : vector<16xi1>, vector<16xf32>
    %add3A_217 = arith.addf %add3A_188, %select_n3A_216 : vector<16xf32>
    %get3A_218 = arith.constant 2 : i32
    %get3A_219 = arith.constant 1 : i32
    %get3A_220 = arith.index_cast %get3A_218 : i32 to index
    %get3A_221 = arith.index_cast %get3A_219 : i32 to index
    %get3A_222 = arith.constant 0 : index
    %get3A_223 = tpu.vector_load %arg11[%get3A_220, %get3A_221, %get3A_222] {strides = array<i32>} : memref<16x2x16xf32, #tpu.memory_space<vmem>>, vector<16xf32>,
    %slice3A_224 = vector.extract_strided_slice %get3A_223 {offsets = [0], sizes = [1], strides = [1]} : vector<16xf32> to vector<1xf32>
    %squeeze3A_225 = vector.extract %slice3A_224[0] : f32 from vector<1xf32>
    %le3A_226 = arith.constant 2 : i32
    %le3A_227 = vector.broadcast %le3A_226 : i32 to vector<16xi32>
    %le3A_228 = arith.cmpi sle, %shift_right_arithmetic3A_139, %le3A_227 : vector<16xi32>
    %gt3A_229 = arith.constant 2 : i32
    %gt3A_230 = arith.cmpi sgt, %arg1, %gt3A_229 : i32
    %and3A_231 = vector.broadcast %gt3A_230 : i1 to vector<16xi1>
    %and3A_232 = arith.andi %le3A_228, %and3A_231 : vector<16xi1>
    %jit3A_233 = arith.constant 0.000000e+00 : f32
    %broadcast_in_dim3A_234 = vector.broadcast %squeeze3A_225 : f32 to vector<16xf32>
    %broadcast_in_dim3A_235 = vector.broadcast %jit3A_233 : f32 to vector<16xf32>
    %select_n3A_236 = arith.select %and3A_232, %broadcast_in_dim3A_234, %broadcast_in_dim3A_235 : vector<16xi1>, vector<16xf32>
    %add3A_237 = arith.addf %add3A_208, %select_n3A_236 : vector<16xf32>
    %gt3A_238 = arith.constant 2 : i32
    %gt3A_239 = vector.broadcast %gt3A_238 : i32 to vector<16xi32>
    %gt3A_240 = arith.cmpi sgt, %select_n3A_153, %gt3A_239 : vector<16xi32>
    %and3A_241 = arith.andi %le3A_228, %gt3A_240 : vector<16xi1>
    %jit3A_242 = arith.constant 0.000000e+00 : f32
    %broadcast_in_dim3A_243 = vector.broadcast %squeeze3A_225 : f32 to vector<16xf32>
    %broadcast_in_dim3A_244 = vector.broadcast %jit3A_242 : f32 to vector<16xf32>
    %select_n3A_245 = arith.select %and3A_241, %broadcast_in_dim3A_243, %broadcast_in_dim3A_244 : vector<16xi1>, vector<16xf32>
    %add3A_246 = arith.addf %add3A_217, %select_n3A_245 : vector<16xf32>
    %get3A_247 = arith.constant 3 : i32
    %get3A_248 = arith.constant 1 : i32
    %get3A_249 = arith.index_cast %get3A_247 : i32 to index
    %get3A_250 = arith.index_cast %get3A_248 : i32 to index
    %get3A_251 = arith.constant 0 : index
    %get3A_252 = tpu.vector_load %arg11[%get3A_249, %get3A_250, %get3A_251] {strides = array<i32>} : memref<16x2x16xf32, #tpu.memory_space<vmem>>, vector<16xf32>,
    %slice3A_253 = vector.extract_strided_slice %get3A_252 {offsets = [0], sizes = [1], strides = [1]} : vector<16xf32> to vector<1xf32>
    %squeeze3A_254 = vector.extract %slice3A_253[0] : f32 from vector<1xf32>
    %le3A_255 = arith.constant 3 : i32
    %le3A_256 = vector.broadcast %le3A_255 : i32 to vector<16xi32>
    %le3A_257 = arith.cmpi sle, %shift_right_arithmetic3A_139, %le3A_256 : vector<16xi32>
    %gt3A_258 = arith.constant 3 : i32
    %gt3A_259 = arith.cmpi sgt, %arg1, %gt3A_258 : i32
    %and3A_260 = vector.broadcast %gt3A_259 : i1 to vector<16xi1>
    %and3A_261 = arith.andi %le3A_257, %and3A_260 : vector<16xi1>
    %jit3A_262 = arith.constant 0.000000e+00 : f32
    %broadcast_in_dim3A_263 = vector.broadcast %squeeze3A_254 : f32 to vector<16xf32>
    %broadcast_in_dim3A_264 = vector.broadcast %jit3A_262 : f32 to vector<16xf32>
    %select_n3A_265 = arith.select %and3A_261, %broadcast_in_dim3A_263, %broadcast_in_dim3A_264 : vector<16xi1>, vector<16xf32>
    %add3A_266 = arith.addf %add3A_237, %select_n3A_265 : vector<16xf32>
    %gt3A_267 = arith.constant 3 : i32
    %gt3A_268 = vector.broadcast %gt3A_267 : i32 to vector<16xi32>
    %gt3A_269 = arith.cmpi sgt, %select_n3A_153, %gt3A_268 : vector<16xi32>
    %and3A_270 = arith.andi %le3A_257, %gt3A_269 : vector<16xi1>
    %jit3A_271 = arith.constant 0.000000e+00 : f32
    %broadcast_in_dim3A_272 = vector.broadcast %squeeze3A_254 : f32 to vector<16xf32>
    %broadcast_in_dim3A_273 = vector.broadcast %jit3A_271 : f32 to vector<16xf32>
    %select_n3A_274 = arith.select %and3A_270, %broadcast_in_dim3A_272, %broadcast_in_dim3A_273 : vector<16xi1>, vector<16xf32>
    %add3A_275 = arith.addf %add3A_246, %select_n3A_274 : vector<16xf32>
    %get3A_276 = arith.constant 4 : i32
    %get3A_277 = arith.constant 1 : i32
    %get3A_278 = arith.index_cast %get3A_276 : i32 to index
    %get3A_279 = arith.index_cast %get3A_277 : i32 to index
    %get3A_280 = arith.constant 0 : index
    %get3A_281 = tpu.vector_load %arg11[%get3A_278, %get3A_279, %get3A_280] {strides = array<i32>} : memref<16x2x16xf32, #tpu.memory_space<vmem>>, vector<16xf32>,
    %slice3A_282 = vector.extract_strided_slice %get3A_281 {offsets = [0], sizes = [1], strides = [1]} : vector<16xf32> to vector<1xf32>
    %squeeze3A_283 = vector.extract %slice3A_282[0] : f32 from vector<1xf32>
    %le3A_284 = arith.constant 4 : i32
    %le3A_285 = vector.broadcast %le3A_284 : i32 to vector<16xi32>
    %le3A_286 = arith.cmpi sle, %shift_right_arithmetic3A_139, %le3A_285 : vector<16xi32>
    %gt3A_287 = arith.constant 4 : i32
    %gt3A_288 = arith.cmpi sgt, %arg1, %gt3A_287 : i32
    %and3A_289 = vector.broadcast %gt3A_288 : i1 to vector<16xi1>
    %and3A_290 = arith.andi %le3A_286, %and3A_289 : vector<16xi1>
    %jit3A_291 = arith.constant 0.000000e+00 : f32
    %broadcast_in_dim3A_292 = vector.broadcast %squeeze3A_283 : f32 to vector<16xf32>
    %broadcast_in_dim3A_293 = vector.broadcast %jit3A_291 : f32 to vector<16xf32>
    %select_n3A_294 = arith.select %and3A_290, %broadcast_in_dim3A_292, %broadcast_in_dim3A_293 : vector<16xi1>, vector<16xf32>
    %add3A_295 = arith.addf %add3A_266, %select_n3A_294 : vector<16xf32>
    %gt3A_296 = arith.constant 4 : i32
    %gt3A_297 = vector.broadcast %gt3A_296 : i32 to vector<16xi32>
    %gt3A_298 = arith.cmpi sgt, %select_n3A_153, %gt3A_297 : vector<16xi32>
    %and3A_299 = arith.andi %le3A_286, %gt3A_298 : vector<16xi1>
    %jit3A_300 = arith.constant 0.000000e+00 : f32
    %broadcast_in_dim3A_301 = vector.broadcast %squeeze3A_283 : f32 to vector<16xf32>
    %broadcast_in_dim3A_302 = vector.broadcast %jit3A_300 : f32 to vector<16xf32>
    %select_n3A_303 = arith.select %and3A_299, %broadcast_in_dim3A_301, %broadcast_in_dim3A_302 : vector<16xi1>, vector<16xf32>
    %add3A_304 = arith.addf %add3A_275, %select_n3A_303 : vector<16xf32>
    %get3A_305 = arith.constant 5 : i32
    %get3A_306 = arith.constant 1 : i32
    %get3A_307 = arith.index_cast %get3A_305 : i32 to index
    %get3A_308 = arith.index_cast %get3A_306 : i32 to index
    %get3A_309 = arith.constant 0 : index
    %get3A_310 = tpu.vector_load %arg11[%get3A_307, %get3A_308, %get3A_309] {strides = array<i32>} : memref<16x2x16xf32, #tpu.memory_space<vmem>>, vector<16xf32>,
    %slice3A_311 = vector.extract_strided_slice %get3A_310 {offsets = [0], sizes = [1], strides = [1]} : vector<16xf32> to vector<1xf32>
    %squeeze3A_312 = vector.extract %slice3A_311[0] : f32 from vector<1xf32>
    %le3A_313 = arith.constant 5 : i32
    %le3A_314 = vector.broadcast %le3A_313 : i32 to vector<16xi32>
    %le3A_315 = arith.cmpi sle, %shift_right_arithmetic3A_139, %le3A_314 : vector<16xi32>
    %gt3A_316 = arith.constant 5 : i32
    %gt3A_317 = arith.cmpi sgt, %arg1, %gt3A_316 : i32
    %and3A_318 = vector.broadcast %gt3A_317 : i1 to vector<16xi1>
    %and3A_319 = arith.andi %le3A_315, %and3A_318 : vector<16xi1>
    %jit3A_320 = arith.constant 0.000000e+00 : f32
    %broadcast_in_dim3A_321 = vector.broadcast %squeeze3A_312 : f32 to vector<16xf32>
    %broadcast_in_dim3A_322 = vector.broadcast %jit3A_320 : f32 to vector<16xf32>
    %select_n3A_323 = arith.select %and3A_319, %broadcast_in_dim3A_321, %broadcast_in_dim3A_322 : vector<16xi1>, vector<16xf32>
    %add3A_324 = arith.addf %add3A_295, %select_n3A_323 : vector<16xf32>
    %gt3A_325 = arith.constant 5 : i32
    %gt3A_326 = vector.broadcast %gt3A_325 : i32 to vector<16xi32>
    %gt3A_327 = arith.cmpi sgt, %select_n3A_153, %gt3A_326 : vector<16xi32>
    %and3A_328 = arith.andi %le3A_315, %gt3A_327 : vector<16xi1>
    %jit3A_329 = arith.constant 0.000000e+00 : f32
    %broadcast_in_dim3A_330 = vector.broadcast %squeeze3A_312 : f32 to vector<16xf32>
    %broadcast_in_dim3A_331 = vector.broadcast %jit3A_329 : f32 to vector<16xf32>
    %select_n3A_332 = arith.select %and3A_328, %broadcast_in_dim3A_330, %broadcast_in_dim3A_331 : vector<16xi1>, vector<16xf32>
    %add3A_333 = arith.addf %add3A_304, %select_n3A_332 : vector<16xf32>
    %get3A_334 = arith.constant 6 : i32
    %get3A_335 = arith.constant 1 : i32
    %get3A_336 = arith.index_cast %get3A_334 : i32 to index
    %get3A_337 = arith.index_cast %get3A_335 : i32 to index
    %get3A_338 = arith.constant 0 : index
    %get3A_339 = tpu.vector_load %arg11[%get3A_336, %get3A_337, %get3A_338] {strides = array<i32>} : memref<16x2x16xf32, #tpu.memory_space<vmem>>, vector<16xf32>,
    %slice3A_340 = vector.extract_strided_slice %get3A_339 {offsets = [0], sizes = [1], strides = [1]} : vector<16xf32> to vector<1xf32>
    %squeeze3A_341 = vector.extract %slice3A_340[0] : f32 from vector<1xf32>
    %le3A_342 = arith.constant 6 : i32
    %le3A_343 = vector.broadcast %le3A_342 : i32 to vector<16xi32>
    %le3A_344 = arith.cmpi sle, %shift_right_arithmetic3A_139, %le3A_343 : vector<16xi32>
    %gt3A_345 = arith.constant 6 : i32
    %gt3A_346 = arith.cmpi sgt, %arg1, %gt3A_345 : i32
    %and3A_347 = vector.broadcast %gt3A_346 : i1 to vector<16xi1>
    %and3A_348 = arith.andi %le3A_344, %and3A_347 : vector<16xi1>
    %jit3A_349 = arith.constant 0.000000e+00 : f32
    %broadcast_in_dim3A_350 = vector.broadcast %squeeze3A_341 : f32 to vector<16xf32>
    %broadcast_in_dim3A_351 = vector.broadcast %jit3A_349 : f32 to vector<16xf32>
    %select_n3A_352 = arith.select %and3A_348, %broadcast_in_dim3A_350, %broadcast_in_dim3A_351 : vector<16xi1>, vector<16xf32>
    %add3A_353 = arith.addf %add3A_324, %select_n3A_352 : vector<16xf32>
    %gt3A_354 = arith.constant 6 : i32
    %gt3A_355 = vector.broadcast %gt3A_354 : i32 to vector<16xi32>
    %gt3A_356 = arith.cmpi sgt, %select_n3A_153, %gt3A_355 : vector<16xi32>
    %and3A_357 = arith.andi %le3A_344, %gt3A_356 : vector<16xi1>
    %jit3A_358 = arith.constant 0.000000e+00 : f32
    %broadcast_in_dim3A_359 = vector.broadcast %squeeze3A_341 : f32 to vector<16xf32>
    %broadcast_in_dim3A_360 = vector.broadcast %jit3A_358 : f32 to vector<16xf32>
    %select_n3A_361 = arith.select %and3A_357, %broadcast_in_dim3A_359, %broadcast_in_dim3A_360 : vector<16xi1>, vector<16xf32>
    %add3A_362 = arith.addf %add3A_333, %select_n3A_361 : vector<16xf32>
    %get3A_363 = arith.constant 7 : i32
    %get3A_364 = arith.constant 1 : i32
    %get3A_365 = arith.index_cast %get3A_363 : i32 to index
    %get3A_366 = arith.index_cast %get3A_364 : i32 to index
    %get3A_367 = arith.constant 0 : index
    %get3A_368 = tpu.vector_load %arg11[%get3A_365, %get3A_366, %get3A_367] {strides = array<i32>} : memref<16x2x16xf32, #tpu.memory_space<vmem>>, vector<16xf32>,
    %slice3A_369 = vector.extract_strided_slice %get3A_368 {offsets = [0], sizes = [1], strides = [1]} : vector<16xf32> to vector<1xf32>
    %squeeze3A_370 = vector.extract %slice3A_369[0] : f32 from vector<1xf32>
    %le3A_371 = arith.constant 7 : i32
    %le3A_372 = vector.broadcast %le3A_371 : i32 to vector<16xi32>
    %le3A_373 = arith.cmpi sle, %shift_right_arithmetic3A_139, %le3A_372 : vector<16xi32>
    %gt3A_374 = arith.constant 7 : i32
    %gt3A_375 = arith.cmpi sgt, %arg1, %gt3A_374 : i32
    %and3A_376 = vector.broadcast %gt3A_375 : i1 to vector<16xi1>
    %and3A_377 = arith.andi %le3A_373, %and3A_376 : vector<16xi1>
    %jit3A_378 = arith.constant 0.000000e+00 : f32
    %broadcast_in_dim3A_379 = vector.broadcast %squeeze3A_370 : f32 to vector<16xf32>
    %broadcast_in_dim3A_380 = vector.broadcast %jit3A_378 : f32 to vector<16xf32>
    %select_n3A_381 = arith.select %and3A_377, %broadcast_in_dim3A_379, %broadcast_in_dim3A_380 : vector<16xi1>, vector<16xf32>
    %add3A_382 = arith.addf %add3A_353, %select_n3A_381 : vector<16xf32>
    %gt3A_383 = arith.constant 7 : i32
    %gt3A_384 = vector.broadcast %gt3A_383 : i32 to vector<16xi32>
    %gt3A_385 = arith.cmpi sgt, %select_n3A_153, %gt3A_384 : vector<16xi32>
    %and3A_386 = arith.andi %le3A_373, %gt3A_385 : vector<16xi1>
    %jit3A_387 = arith.constant 0.000000e+00 : f32
    %broadcast_in_dim3A_388 = vector.broadcast %squeeze3A_370 : f32 to vector<16xf32>
    %broadcast_in_dim3A_389 = vector.broadcast %jit3A_387 : f32 to vector<16xf32>
    %select_n3A_390 = arith.select %and3A_386, %broadcast_in_dim3A_388, %broadcast_in_dim3A_389 : vector<16xi1>, vector<16xf32>
    %add3A_391 = arith.addf %add3A_362, %select_n3A_390 : vector<16xf32>
    %get3A_392 = arith.constant 8 : i32
    %get3A_393 = arith.constant 1 : i32
    %get3A_394 = arith.index_cast %get3A_392 : i32 to index
    %get3A_395 = arith.index_cast %get3A_393 : i32 to index
    %get3A_396 = arith.constant 0 : index
    %get3A_397 = tpu.vector_load %arg11[%get3A_394, %get3A_395, %get3A_396] {strides = array<i32>} : memref<16x2x16xf32, #tpu.memory_space<vmem>>, vector<16xf32>,
    %slice3A_398 = vector.extract_strided_slice %get3A_397 {offsets = [0], sizes = [1], strides = [1]} : vector<16xf32> to vector<1xf32>
    %squeeze3A_399 = vector.extract %slice3A_398[0] : f32 from vector<1xf32>
    %le3A_400 = arith.constant 8 : i32
    %le3A_401 = vector.broadcast %le3A_400 : i32 to vector<16xi32>
    %le3A_402 = arith.cmpi sle, %shift_right_arithmetic3A_139, %le3A_401 : vector<16xi32>
    %gt3A_403 = arith.constant 8 : i32
    %gt3A_404 = arith.cmpi sgt, %arg1, %gt3A_403 : i32
    %and3A_405 = vector.broadcast %gt3A_404 : i1 to vector<16xi1>
    %and3A_406 = arith.andi %le3A_402, %and3A_405 : vector<16xi1>
    %jit3A_407 = arith.constant 0.000000e+00 : f32
    %broadcast_in_dim3A_408 = vector.broadcast %squeeze3A_399 : f32 to vector<16xf32>
    %broadcast_in_dim3A_409 = vector.broadcast %jit3A_407 : f32 to vector<16xf32>
    %select_n3A_410 = arith.select %and3A_406, %broadcast_in_dim3A_408, %broadcast_in_dim3A_409 : vector<16xi1>, vector<16xf32>
    %add3A_411 = arith.addf %add3A_382, %select_n3A_410 : vector<16xf32>
    %gt3A_412 = arith.constant 8 : i32
    %gt3A_413 = vector.broadcast %gt3A_412 : i32 to vector<16xi32>
    %gt3A_414 = arith.cmpi sgt, %select_n3A_153, %gt3A_413 : vector<16xi32>
    %and3A_415 = arith.andi %le3A_402, %gt3A_414 : vector<16xi1>
    %jit3A_416 = arith.constant 0.000000e+00 : f32
    %broadcast_in_dim3A_417 = vector.broadcast %squeeze3A_399 : f32 to vector<16xf32>
    %broadcast_in_dim3A_418 = vector.broadcast %jit3A_416 : f32 to vector<16xf32>
    %select_n3A_419 = arith.select %and3A_415, %broadcast_in_dim3A_417, %broadcast_in_dim3A_418 : vector<16xi1>, vector<16xf32>
    %add3A_420 = arith.addf %add3A_391, %select_n3A_419 : vector<16xf32>
    %get3A_421 = arith.constant 9 : i32
    %get3A_422 = arith.constant 1 : i32
    %get3A_423 = arith.index_cast %get3A_421 : i32 to index
    %get3A_424 = arith.index_cast %get3A_422 : i32 to index
    %get3A_425 = arith.constant 0 : index
    %get3A_426 = tpu.vector_load %arg11[%get3A_423, %get3A_424, %get3A_425] {strides = array<i32>} : memref<16x2x16xf32, #tpu.memory_space<vmem>>, vector<16xf32>,
    %slice3A_427 = vector.extract_strided_slice %get3A_426 {offsets = [0], sizes = [1], strides = [1]} : vector<16xf32> to vector<1xf32>
    %squeeze3A_428 = vector.extract %slice3A_427[0] : f32 from vector<1xf32>
    %le3A_429 = arith.constant 9 : i32
    %le3A_430 = vector.broadcast %le3A_429 : i32 to vector<16xi32>
    %le3A_431 = arith.cmpi sle, %shift_right_arithmetic3A_139, %le3A_430 : vector<16xi32>
    %gt3A_432 = arith.constant 9 : i32
    %gt3A_433 = arith.cmpi sgt, %arg1, %gt3A_432 : i32
    %and3A_434 = vector.broadcast %gt3A_433 : i1 to vector<16xi1>
    %and3A_435 = arith.andi %le3A_431, %and3A_434 : vector<16xi1>
    %jit3A_436 = arith.constant 0.000000e+00 : f32
    %broadcast_in_dim3A_437 = vector.broadcast %squeeze3A_428 : f32 to vector<16xf32>
    %broadcast_in_dim3A_438 = vector.broadcast %jit3A_436 : f32 to vector<16xf32>
    %select_n3A_439 = arith.select %and3A_435, %broadcast_in_dim3A_437, %broadcast_in_dim3A_438 : vector<16xi1>, vector<16xf32>
    %add3A_440 = arith.addf %add3A_411, %select_n3A_439 : vector<16xf32>
    %gt3A_441 = arith.constant 9 : i32
    %gt3A_442 = vector.broadcast %gt3A_441 : i32 to vector<16xi32>
    %gt3A_443 = arith.cmpi sgt, %select_n3A_153, %gt3A_442 : vector<16xi32>
    %and3A_444 = arith.andi %le3A_431, %gt3A_443 : vector<16xi1>
    %jit3A_445 = arith.constant 0.000000e+00 : f32
    %broadcast_in_dim3A_446 = vector.broadcast %squeeze3A_428 : f32 to vector<16xf32>
    %broadcast_in_dim3A_447 = vector.broadcast %jit3A_445 : f32 to vector<16xf32>
    %select_n3A_448 = arith.select %and3A_444, %broadcast_in_dim3A_446, %broadcast_in_dim3A_447 : vector<16xi1>, vector<16xf32>
    %add3A_449 = arith.addf %add3A_420, %select_n3A_448 : vector<16xf32>
    %get3A_450 = arith.constant 10 : i32
    %get3A_451 = arith.constant 1 : i32
    %get3A_452 = arith.index_cast %get3A_450 : i32 to index
    %get3A_453 = arith.index_cast %get3A_451 : i32 to index
    %get3A_454 = arith.constant 0 : index
    %get3A_455 = tpu.vector_load %arg11[%get3A_452, %get3A_453, %get3A_454] {strides = array<i32>} : memref<16x2x16xf32, #tpu.memory_space<vmem>>, vector<16xf32>,
    %slice3A_456 = vector.extract_strided_slice %get3A_455 {offsets = [0], sizes = [1], strides = [1]} : vector<16xf32> to vector<1xf32>
    %squeeze3A_457 = vector.extract %slice3A_456[0] : f32 from vector<1xf32>
    %le3A_458 = arith.constant 10 : i32
    %le3A_459 = vector.broadcast %le3A_458 : i32 to vector<16xi32>
    %le3A_460 = arith.cmpi sle, %shift_right_arithmetic3A_139, %le3A_459 : vector<16xi32>
    %gt3A_461 = arith.constant 10 : i32
    %gt3A_462 = arith.cmpi sgt, %arg1, %gt3A_461 : i32
    %and3A_463 = vector.broadcast %gt3A_462 : i1 to vector<16xi1>
    %and3A_464 = arith.andi %le3A_460, %and3A_463 : vector<16xi1>
    %jit3A_465 = arith.constant 0.000000e+00 : f32
    %broadcast_in_dim3A_466 = vector.broadcast %squeeze3A_457 : f32 to vector<16xf32>
    %broadcast_in_dim3A_467 = vector.broadcast %jit3A_465 : f32 to vector<16xf32>
    %select_n3A_468 = arith.select %and3A_464, %broadcast_in_dim3A_466, %broadcast_in_dim3A_467 : vector<16xi1>, vector<16xf32>
    %add3A_469 = arith.addf %add3A_440, %select_n3A_468 : vector<16xf32>
    %gt3A_470 = arith.constant 10 : i32
    %gt3A_471 = vector.broadcast %gt3A_470 : i32 to vector<16xi32>
    %gt3A_472 = arith.cmpi sgt, %select_n3A_153, %gt3A_471 : vector<16xi32>
    %and3A_473 = arith.andi %le3A_460, %gt3A_472 : vector<16xi1>
    %jit3A_474 = arith.constant 0.000000e+00 : f32
    %broadcast_in_dim3A_475 = vector.broadcast %squeeze3A_457 : f32 to vector<16xf32>
    %broadcast_in_dim3A_476 = vector.broadcast %jit3A_474 : f32 to vector<16xf32>
    %select_n3A_477 = arith.select %and3A_473, %broadcast_in_dim3A_475, %broadcast_in_dim3A_476 : vector<16xi1>, vector<16xf32>
    %add3A_478 = arith.addf %add3A_449, %select_n3A_477 : vector<16xf32>
    %get3A_479 = arith.constant 11 : i32
    %get3A_480 = arith.constant 1 : i32
    %get3A_481 = arith.index_cast %get3A_479 : i32 to index
    %get3A_482 = arith.index_cast %get3A_480 : i32 to index
    %get3A_483 = arith.constant 0 : index
    %get3A_484 = tpu.vector_load %arg11[%get3A_481, %get3A_482, %get3A_483] {strides = array<i32>} : memref<16x2x16xf32, #tpu.memory_space<vmem>>, vector<16xf32>,
    %slice3A_485 = vector.extract_strided_slice %get3A_484 {offsets = [0], sizes = [1], strides = [1]} : vector<16xf32> to vector<1xf32>
    %squeeze3A_486 = vector.extract %slice3A_485[0] : f32 from vector<1xf32>
    %le3A_487 = arith.constant 11 : i32
    %le3A_488 = vector.broadcast %le3A_487 : i32 to vector<16xi32>
    %le3A_489 = arith.cmpi sle, %shift_right_arithmetic3A_139, %le3A_488 : vector<16xi32>
    %gt3A_490 = arith.constant 11 : i32
    %gt3A_491 = arith.cmpi sgt, %arg1, %gt3A_490 : i32
    %and3A_492 = vector.broadcast %gt3A_491 : i1 to vector<16xi1>
    %and3A_493 = arith.andi %le3A_489, %and3A_492 : vector<16xi1>
    %jit3A_494 = arith.constant 0.000000e+00 : f32
    %broadcast_in_dim3A_495 = vector.broadcast %squeeze3A_486 : f32 to vector<16xf32>
    %broadcast_in_dim3A_496 = vector.broadcast %jit3A_494 : f32 to vector<16xf32>
    %select_n3A_497 = arith.select %and3A_493, %broadcast_in_dim3A_495, %broadcast_in_dim3A_496 : vector<16xi1>, vector<16xf32>
    %add3A_498 = arith.addf %add3A_469, %select_n3A_497 : vector<16xf32>
    %gt3A_499 = arith.constant 11 : i32
    %gt3A_500 = vector.broadcast %gt3A_499 : i32 to vector<16xi32>
    %gt3A_501 = arith.cmpi sgt, %select_n3A_153, %gt3A_500 : vector<16xi32>
    %and3A_502 = arith.andi %le3A_489, %gt3A_501 : vector<16xi1>
    %jit3A_503 = arith.constant 0.000000e+00 : f32
    %broadcast_in_dim3A_504 = vector.broadcast %squeeze3A_486 : f32 to vector<16xf32>
    %broadcast_in_dim3A_505 = vector.broadcast %jit3A_503 : f32 to vector<16xf32>
    %select_n3A_506 = arith.select %and3A_502, %broadcast_in_dim3A_504, %broadcast_in_dim3A_505 : vector<16xi1>, vector<16xf32>
    %add3A_507 = arith.addf %add3A_478, %select_n3A_506 : vector<16xf32>
    %get3A_508 = arith.constant 12 : i32
    %get3A_509 = arith.constant 1 : i32
    %get3A_510 = arith.index_cast %get3A_508 : i32 to index
    %get3A_511 = arith.index_cast %get3A_509 : i32 to index
    %get3A_512 = arith.constant 0 : index
    %get3A_513 = tpu.vector_load %arg11[%get3A_510, %get3A_511, %get3A_512] {strides = array<i32>} : memref<16x2x16xf32, #tpu.memory_space<vmem>>, vector<16xf32>,
    %slice3A_514 = vector.extract_strided_slice %get3A_513 {offsets = [0], sizes = [1], strides = [1]} : vector<16xf32> to vector<1xf32>
    %squeeze3A_515 = vector.extract %slice3A_514[0] : f32 from vector<1xf32>
    %le3A_516 = arith.constant 12 : i32
    %le3A_517 = vector.broadcast %le3A_516 : i32 to vector<16xi32>
    %le3A_518 = arith.cmpi sle, %shift_right_arithmetic3A_139, %le3A_517 : vector<16xi32>
    %gt3A_519 = arith.constant 12 : i32
    %gt3A_520 = arith.cmpi sgt, %arg1, %gt3A_519 : i32
    %and3A_521 = vector.broadcast %gt3A_520 : i1 to vector<16xi1>
    %and3A_522 = arith.andi %le3A_518, %and3A_521 : vector<16xi1>
    %jit3A_523 = arith.constant 0.000000e+00 : f32
    %broadcast_in_dim3A_524 = vector.broadcast %squeeze3A_515 : f32 to vector<16xf32>
    %broadcast_in_dim3A_525 = vector.broadcast %jit3A_523 : f32 to vector<16xf32>
    %select_n3A_526 = arith.select %and3A_522, %broadcast_in_dim3A_524, %broadcast_in_dim3A_525 : vector<16xi1>, vector<16xf32>
    %add3A_527 = arith.addf %add3A_498, %select_n3A_526 : vector<16xf32>
    %gt3A_528 = arith.constant 12 : i32
    %gt3A_529 = vector.broadcast %gt3A_528 : i32 to vector<16xi32>
    %gt3A_530 = arith.cmpi sgt, %select_n3A_153, %gt3A_529 : vector<16xi32>
    %and3A_531 = arith.andi %le3A_518, %gt3A_530 : vector<16xi1>
    %jit3A_532 = arith.constant 0.000000e+00 : f32
    %broadcast_in_dim3A_533 = vector.broadcast %squeeze3A_515 : f32 to vector<16xf32>
    %broadcast_in_dim3A_534 = vector.broadcast %jit3A_532 : f32 to vector<16xf32>
    %select_n3A_535 = arith.select %and3A_531, %broadcast_in_dim3A_533, %broadcast_in_dim3A_534 : vector<16xi1>, vector<16xf32>
    %add3A_536 = arith.addf %add3A_507, %select_n3A_535 : vector<16xf32>
    %get3A_537 = arith.constant 13 : i32
    %get3A_538 = arith.constant 1 : i32
    %get3A_539 = arith.index_cast %get3A_537 : i32 to index
    %get3A_540 = arith.index_cast %get3A_538 : i32 to index
    %get3A_541 = arith.constant 0 : index
    %get3A_542 = tpu.vector_load %arg11[%get3A_539, %get3A_540, %get3A_541] {strides = array<i32>} : memref<16x2x16xf32, #tpu.memory_space<vmem>>, vector<16xf32>,
    %slice3A_543 = vector.extract_strided_slice %get3A_542 {offsets = [0], sizes = [1], strides = [1]} : vector<16xf32> to vector<1xf32>
    %squeeze3A_544 = vector.extract %slice3A_543[0] : f32 from vector<1xf32>
    %le3A_545 = arith.constant 13 : i32
    %le3A_546 = vector.broadcast %le3A_545 : i32 to vector<16xi32>
    %le3A_547 = arith.cmpi sle, %shift_right_arithmetic3A_139, %le3A_546 : vector<16xi32>
    %gt3A_548 = arith.constant 13 : i32
    %gt3A_549 = arith.cmpi sgt, %arg1, %gt3A_548 : i32
    %and3A_550 = vector.broadcast %gt3A_549 : i1 to vector<16xi1>
    %and3A_551 = arith.andi %le3A_547, %and3A_550 : vector<16xi1>
    %jit3A_552 = arith.constant 0.000000e+00 : f32
    %broadcast_in_dim3A_553 = vector.broadcast %squeeze3A_544 : f32 to vector<16xf32>
    %broadcast_in_dim3A_554 = vector.broadcast %jit3A_552 : f32 to vector<16xf32>
    %select_n3A_555 = arith.select %and3A_551, %broadcast_in_dim3A_553, %broadcast_in_dim3A_554 : vector<16xi1>, vector<16xf32>
    %add3A_556 = arith.addf %add3A_527, %select_n3A_555 : vector<16xf32>
    %gt3A_557 = arith.constant 13 : i32
    %gt3A_558 = vector.broadcast %gt3A_557 : i32 to vector<16xi32>
    %gt3A_559 = arith.cmpi sgt, %select_n3A_153, %gt3A_558 : vector<16xi32>
    %and3A_560 = arith.andi %le3A_547, %gt3A_559 : vector<16xi1>
    %jit3A_561 = arith.constant 0.000000e+00 : f32
    %broadcast_in_dim3A_562 = vector.broadcast %squeeze3A_544 : f32 to vector<16xf32>
    %broadcast_in_dim3A_563 = vector.broadcast %jit3A_561 : f32 to vector<16xf32>
    %select_n3A_564 = arith.select %and3A_560, %broadcast_in_dim3A_562, %broadcast_in_dim3A_563 : vector<16xi1>, vector<16xf32>
    %add3A_565 = arith.addf %add3A_536, %select_n3A_564 : vector<16xf32>
    %get3A_566 = arith.constant 14 : i32
    %get3A_567 = arith.constant 1 : i32
    %get3A_568 = arith.index_cast %get3A_566 : i32 to index
    %get3A_569 = arith.index_cast %get3A_567 : i32 to index
    %get3A_570 = arith.constant 0 : index
    %get3A_571 = tpu.vector_load %arg11[%get3A_568, %get3A_569, %get3A_570] {strides = array<i32>} : memref<16x2x16xf32, #tpu.memory_space<vmem>>, vector<16xf32>,
    %slice3A_572 = vector.extract_strided_slice %get3A_571 {offsets = [0], sizes = [1], strides = [1]} : vector<16xf32> to vector<1xf32>
    %squeeze3A_573 = vector.extract %slice3A_572[0] : f32 from vector<1xf32>
    %le3A_574 = arith.constant 14 : i32
    %le3A_575 = vector.broadcast %le3A_574 : i32 to vector<16xi32>
    %le3A_576 = arith.cmpi sle, %shift_right_arithmetic3A_139, %le3A_575 : vector<16xi32>
    %gt3A_577 = arith.constant 14 : i32
    %gt3A_578 = arith.cmpi sgt, %arg1, %gt3A_577 : i32
    %and3A_579 = vector.broadcast %gt3A_578 : i1 to vector<16xi1>
    %and3A_580 = arith.andi %le3A_576, %and3A_579 : vector<16xi1>
    %jit3A_581 = arith.constant 0.000000e+00 : f32
    %broadcast_in_dim3A_582 = vector.broadcast %squeeze3A_573 : f32 to vector<16xf32>
    %broadcast_in_dim3A_583 = vector.broadcast %jit3A_581 : f32 to vector<16xf32>
    %select_n3A_584 = arith.select %and3A_580, %broadcast_in_dim3A_582, %broadcast_in_dim3A_583 : vector<16xi1>, vector<16xf32>
    %add3A_585 = arith.addf %add3A_556, %select_n3A_584 : vector<16xf32>
    %gt3A_586 = arith.constant 14 : i32
    %gt3A_587 = vector.broadcast %gt3A_586 : i32 to vector<16xi32>
    %gt3A_588 = arith.cmpi sgt, %select_n3A_153, %gt3A_587 : vector<16xi32>
    %and3A_589 = arith.andi %le3A_576, %gt3A_588 : vector<16xi1>
    %jit3A_590 = arith.constant 0.000000e+00 : f32
    %broadcast_in_dim3A_591 = vector.broadcast %squeeze3A_573 : f32 to vector<16xf32>
    %broadcast_in_dim3A_592 = vector.broadcast %jit3A_590 : f32 to vector<16xf32>
    %select_n3A_593 = arith.select %and3A_589, %broadcast_in_dim3A_591, %broadcast_in_dim3A_592 : vector<16xi1>, vector<16xf32>
    %add3A_594 = arith.addf %add3A_565, %select_n3A_593 : vector<16xf32>
    %get3A_595 = arith.constant 15 : i32
    %get3A_596 = arith.constant 1 : i32
    %get3A_597 = arith.index_cast %get3A_595 : i32 to index
    %get3A_598 = arith.index_cast %get3A_596 : i32 to index
    %get3A_599 = arith.constant 0 : index
    %get3A_600 = tpu.vector_load %arg11[%get3A_597, %get3A_598, %get3A_599] {strides = array<i32>} : memref<16x2x16xf32, #tpu.memory_space<vmem>>, vector<16xf32>,
    %slice3A_601 = vector.extract_strided_slice %get3A_600 {offsets = [0], sizes = [1], strides = [1]} : vector<16xf32> to vector<1xf32>
    %squeeze3A_602 = vector.extract %slice3A_601[0] : f32 from vector<1xf32>
    %le3A_603 = arith.constant 15 : i32
    %le3A_604 = vector.broadcast %le3A_603 : i32 to vector<16xi32>
    %le3A_605 = arith.cmpi sle, %shift_right_arithmetic3A_139, %le3A_604 : vector<16xi32>
    %gt3A_606 = arith.constant 15 : i32
    %gt3A_607 = arith.cmpi sgt, %arg1, %gt3A_606 : i32
    %and3A_608 = vector.broadcast %gt3A_607 : i1 to vector<16xi1>
    %and3A_609 = arith.andi %le3A_605, %and3A_608 : vector<16xi1>
    %jit3A_610 = arith.constant 0.000000e+00 : f32
    %broadcast_in_dim3A_611 = vector.broadcast %squeeze3A_602 : f32 to vector<16xf32>
    %broadcast_in_dim3A_612 = vector.broadcast %jit3A_610 : f32 to vector<16xf32>
    %select_n3A_613 = arith.select %and3A_609, %broadcast_in_dim3A_611, %broadcast_in_dim3A_612 : vector<16xi1>, vector<16xf32>
    %add3A_614 = arith.addf %add3A_585, %select_n3A_613 : vector<16xf32>
    %gt3A_615 = arith.constant 15 : i32
    %gt3A_616 = vector.broadcast %gt3A_615 : i32 to vector<16xi32>
    %gt3A_617 = arith.cmpi sgt, %select_n3A_153, %gt3A_616 : vector<16xi32>
    %and3A_618 = arith.andi %le3A_605, %gt3A_617 : vector<16xi1>
    %jit3A_619 = arith.constant 0.000000e+00 : f32
    %broadcast_in_dim3A_620 = vector.broadcast %squeeze3A_602 : f32 to vector<16xf32>
    %broadcast_in_dim3A_621 = vector.broadcast %jit3A_619 : f32 to vector<16xf32>
    %select_n3A_622 = arith.select %and3A_618, %broadcast_in_dim3A_620, %broadcast_in_dim3A_621 : vector<16xi1>, vector<16xf32>
    %add3A_623 = arith.addf %add3A_594, %select_n3A_622 : vector<16xf32>
    %sub3A_624 = arith.subf %select_n3A_159, %add3A_137 : vector<16xf32>
    %add3A_625 = arith.addf %sub3A_624, %add3A_623 : vector<16xf32>
    %exp3A = math.exp %add3A_625 : vector<16xf32>
    %swap3A_626 = arith.constant 0 : index
    %swap3A_627 = tpu.vector_load %arg14[%swap3A_626] {strides = array<i32>} : memref<16xf32, #tpu.memory_space<vmem>>, vector<16xf32>,
    tpu.vector_store %arg14[%swap3A_626], %exp3A {strides = array<i32>} : memref<16xf32, #tpu.memory_space<vmem>>, vector<16xf32>,
    %eq3A_628 = arith.constant 0 : i32
    %eq3A_629 = arith.cmpi eq, %arg1, %eq3A_628 : i32
    %eq3A_630 = arith.constant 0 : i32
    %eq3A_631 = arith.cmpi eq, %arg0, %eq3A_630 : i32
    %and3A_632 = arith.andi %eq3A_629, %eq3A_631 : i1
    %convert_element_type3A = arith.extui %and3A_632 : i1 to i32
    %cond3A = arith.constant 0 : i32
    %cond3A_633 = arith.cmpi ne, %convert_element_type3A, %cond3A : i32
    scf.if %cond3A_633 {
      "tpu.region"() ({
        %run_scoped3A = tpu.sem_alloc : memref<!tpu.dma_semaphore, #tpu.memory_space<semaphore_mem>>
        tpu.enqueue_dma source(%arg14 : memref<16xf32, #tpu.memory_space<vmem>>) target(%arg5 : memref<16xf32, #tpu.memory_space<hbm>>) target_semaphore(%run_scoped3A : memref<!tpu.dma_semaphore, #tpu.memory_space<semaphore_mem>>)
        tpu.wait_dma2 semaphore(%run_scoped3A : memref<!tpu.dma_semaphore, #tpu.memory_space<semaphore_mem>>) src(%arg14 : memref<16xf32, #tpu.memory_space<vmem>>) dst(%arg5 : memref<16xf32, #tpu.memory_space<hbm>>)
        tpu.yield
      }) : () -> ()
    } else {
    }
    %sub3A_634 = arith.subf %add3A_614, %add3A_137 : vector<16xf32>
    %slice3A_635 = vector.extract_strided_slice %sub3A_634 {offsets = [0], sizes = [1], strides = [1]} : vector<16xf32> to vector<1xf32>
    %squeeze3A_636 = vector.extract %slice3A_635[0] : f32 from vector<1xf32>
    %slice3A_637 = vector.extract_strided_slice %sub3A_634 {offsets = [1], sizes = [1], strides = [1]} : vector<16xf32> to vector<1xf32>
    %squeeze3A_638 = vector.extract %slice3A_637[0] : f32 from vector<1xf32>
    %slice3A_639 = vector.extract_strided_slice %sub3A_634 {offsets = [2], sizes = [1], strides = [1]} : vector<16xf32> to vector<1xf32>
    %squeeze3A_640 = vector.extract %slice3A_639[0] : f32 from vector<1xf32>
    %slice3A_641 = vector.extract_strided_slice %sub3A_634 {offsets = [3], sizes = [1], strides = [1]} : vector<16xf32> to vector<1xf32>
    %squeeze3A_642 = vector.extract %slice3A_641[0] : f32 from vector<1xf32>
    %slice3A_643 = vector.extract_strided_slice %sub3A_634 {offsets = [4], sizes = [1], strides = [1]} : vector<16xf32> to vector<1xf32>
    %squeeze3A_644 = vector.extract %slice3A_643[0] : f32 from vector<1xf32>
    %slice3A_645 = vector.extract_strided_slice %sub3A_634 {offsets = [5], sizes = [1], strides = [1]} : vector<16xf32> to vector<1xf32>
    %squeeze3A_646 = vector.extract %slice3A_645[0] : f32 from vector<1xf32>
    %slice3A_647 = vector.extract_strided_slice %sub3A_634 {offsets = [6], sizes = [1], strides = [1]} : vector<16xf32> to vector<1xf32>
    %squeeze3A_648 = vector.extract %slice3A_647[0] : f32 from vector<1xf32>
    %slice3A_649 = vector.extract_strided_slice %sub3A_634 {offsets = [7], sizes = [1], strides = [1]} : vector<16xf32> to vector<1xf32>
    %squeeze3A_650 = vector.extract %slice3A_649[0] : f32 from vector<1xf32>
    %slice3A_651 = vector.extract_strided_slice %sub3A_634 {offsets = [8], sizes = [1], strides = [1]} : vector<16xf32> to vector<1xf32>
    %squeeze3A_652 = vector.extract %slice3A_651[0] : f32 from vector<1xf32>
    %slice3A_653 = vector.extract_strided_slice %sub3A_634 {offsets = [9], sizes = [1], strides = [1]} : vector<16xf32> to vector<1xf32>
    %squeeze3A_654 = vector.extract %slice3A_653[0] : f32 from vector<1xf32>
    %slice3A_655 = vector.extract_strided_slice %sub3A_634 {offsets = [10], sizes = [1], strides = [1]} : vector<16xf32> to vector<1xf32>
    %squeeze3A_656 = vector.extract %slice3A_655[0] : f32 from vector<1xf32>
    %slice3A_657 = vector.extract_strided_slice %sub3A_634 {offsets = [11], sizes = [1], strides = [1]} : vector<16xf32> to vector<1xf32>
    %squeeze3A_658 = vector.extract %slice3A_657[0] : f32 from vector<1xf32>
    %slice3A_659 = vector.extract_strided_slice %sub3A_634 {offsets = [12], sizes = [1], strides = [1]} : vector<16xf32> to vector<1xf32>
    %squeeze3A_660 = vector.extract %slice3A_659[0] : f32 from vector<1xf32>
    %slice3A_661 = vector.extract_strided_slice %sub3A_634 {offsets = [13], sizes = [1], strides = [1]} : vector<16xf32> to vector<1xf32>
    %squeeze3A_662 = vector.extract %slice3A_661[0] : f32 from vector<1xf32>
    %slice3A_663 = vector.extract_strided_slice %sub3A_634 {offsets = [14], sizes = [1], strides = [1]} : vector<16xf32> to vector<1xf32>
    %squeeze3A_664 = vector.extract %slice3A_663[0] : f32 from vector<1xf32>
    %slice3A_665 = vector.extract_strided_slice %sub3A_634 {offsets = [15], sizes = [1], strides = [1]} : vector<16xf32> to vector<1xf32>
    %squeeze3A_666 = vector.extract %slice3A_665[0] : f32 from vector<1xf32>
    %slice3A_667 = vector.extract_strided_slice %get3A_7 {offsets = [1], sizes = [1], strides = [1]} : vector<16xi32> to vector<1xi32>
    %squeeze3A_668 = vector.extract %slice3A_667[0] : i32 from vector<1xi32>
    %slice3A_669 = vector.extract_strided_slice %get3A_7 {offsets = [2], sizes = [1], strides = [1]} : vector<16xi32> to vector<1xi32>
    %squeeze3A_670 = vector.extract %slice3A_669[0] : i32 from vector<1xi32>
    %slice3A_671 = vector.extract_strided_slice %get3A_7 {offsets = [3], sizes = [1], strides = [1]} : vector<16xi32> to vector<1xi32>
    %squeeze3A_672 = vector.extract %slice3A_671[0] : i32 from vector<1xi32>
    %slice3A_673 = vector.extract_strided_slice %get3A_7 {offsets = [4], sizes = [1], strides = [1]} : vector<16xi32> to vector<1xi32>
    %squeeze3A_674 = vector.extract %slice3A_673[0] : i32 from vector<1xi32>
    %slice3A_675 = vector.extract_strided_slice %get3A_7 {offsets = [5], sizes = [1], strides = [1]} : vector<16xi32> to vector<1xi32>
    %squeeze3A_676 = vector.extract %slice3A_675[0] : i32 from vector<1xi32>
    %slice3A_677 = vector.extract_strided_slice %get3A_7 {offsets = [6], sizes = [1], strides = [1]} : vector<16xi32> to vector<1xi32>
    %squeeze3A_678 = vector.extract %slice3A_677[0] : i32 from vector<1xi32>
    %slice3A_679 = vector.extract_strided_slice %get3A_7 {offsets = [7], sizes = [1], strides = [1]} : vector<16xi32> to vector<1xi32>
    %squeeze3A_680 = vector.extract %slice3A_679[0] : i32 from vector<1xi32>
    %slice3A_681 = vector.extract_strided_slice %get3A_7 {offsets = [8], sizes = [1], strides = [1]} : vector<16xi32> to vector<1xi32>
    %squeeze3A_682 = vector.extract %slice3A_681[0] : i32 from vector<1xi32>
    %slice3A_683 = vector.extract_strided_slice %get3A_7 {offsets = [9], sizes = [1], strides = [1]} : vector<16xi32> to vector<1xi32>
    %squeeze3A_684 = vector.extract %slice3A_683[0] : i32 from vector<1xi32>
    %slice3A_685 = vector.extract_strided_slice %get3A_7 {offsets = [10], sizes = [1], strides = [1]} : vector<16xi32> to vector<1xi32>
    %squeeze3A_686 = vector.extract %slice3A_685[0] : i32 from vector<1xi32>
    %slice3A_687 = vector.extract_strided_slice %get3A_7 {offsets = [11], sizes = [1], strides = [1]} : vector<16xi32> to vector<1xi32>
    %squeeze3A_688 = vector.extract %slice3A_687[0] : i32 from vector<1xi32>
    %slice3A_689 = vector.extract_strided_slice %get3A_7 {offsets = [12], sizes = [1], strides = [1]} : vector<16xi32> to vector<1xi32>
    %squeeze3A_690 = vector.extract %slice3A_689[0] : i32 from vector<1xi32>
    %slice3A_691 = vector.extract_strided_slice %get3A_7 {offsets = [13], sizes = [1], strides = [1]} : vector<16xi32> to vector<1xi32>
    %squeeze3A_692 = vector.extract %slice3A_691[0] : i32 from vector<1xi32>
    %slice3A_693 = vector.extract_strided_slice %get3A_7 {offsets = [14], sizes = [1], strides = [1]} : vector<16xi32> to vector<1xi32>
    %squeeze3A_694 = vector.extract %slice3A_693[0] : i32 from vector<1xi32>
    %slice3A_695 = vector.extract_strided_slice %get3A_7 {offsets = [15], sizes = [1], strides = [1]} : vector<16xi32> to vector<1xi32>
    %squeeze3A_696 = vector.extract %slice3A_695[0] : i32 from vector<1xi32>
    %scan3A_697 = arith.constant 0 : i32
    %scan3A_698 = arith.constant 0 : i32
    %scan3A_699 = arith.constant 128 : i32
    %scan3A_700 = arith.addi %scan3A_698, %scan3A_699 : i32
    %scan3A_701 = arith.constant 1 : i32
    scf.for %scan3A_708 = %scan3A_698 to %scan3A_700 step %scan3A_701  : i32 {
      %mul3A_709 = arith.constant 16 : i32
      %mul3A_710 = arith.muli %scan3A_708, %mul3A_709 : i32
      %get3A_711 = arith.index_cast %mul3A_710 : i32 to index
      %get3A_712 = tpu.vector_load %arg8[%get3A_711] {strides = array<i32>} : memref<2048xf32, #tpu.memory_space<vmem>>, vector<16xf32>,
      %mul3A_713 = arith.constant 16 : i32
      %mul3A_714 = arith.muli %scan3A_708, %mul3A_713 : i32
      %add3A_715 = arith.addi %mul3A_0, %mul3A_714 : i32
      %add3A_716 = vector.broadcast %add3A_715 : i32 to vector<16xi32>
      %add3A_717 = arith.addi %add3A_716, %iota3A : vector<16xi32>
      %broadcast_in_dim3A_718 = vector.broadcast %squeeze3A_636 : f32 to vector<16xf32>
      %ge3A_719 = vector.broadcast %squeeze3A_668 : i32 to vector<16xi32>
      %ge3A_720 = arith.cmpi sge, %add3A_717, %ge3A_719 : vector<16xi32>
      %broadcast_in_dim3A_721 = vector.broadcast %squeeze3A_638 : f32 to vector<16xf32>
      %select_n3A_722 = arith.select %ge3A_720, %broadcast_in_dim3A_721, %broadcast_in_dim3A_718 : vector<16xi1>, vector<16xf32>
      %ge3A_723 = vector.broadcast %squeeze3A_670 : i32 to vector<16xi32>
      %ge3A_724 = arith.cmpi sge, %add3A_717, %ge3A_723 : vector<16xi32>
      %broadcast_in_dim3A_725 = vector.broadcast %squeeze3A_640 : f32 to vector<16xf32>
      %select_n3A_726 = arith.select %ge3A_724, %broadcast_in_dim3A_725, %select_n3A_722 : vector<16xi1>, vector<16xf32>
      %ge3A_727 = vector.broadcast %squeeze3A_672 : i32 to vector<16xi32>
      %ge3A_728 = arith.cmpi sge, %add3A_717, %ge3A_727 : vector<16xi32>
      %broadcast_in_dim3A_729 = vector.broadcast %squeeze3A_642 : f32 to vector<16xf32>
      %select_n3A_730 = arith.select %ge3A_728, %broadcast_in_dim3A_729, %select_n3A_726 : vector<16xi1>, vector<16xf32>
      %ge3A_731 = vector.broadcast %squeeze3A_674 : i32 to vector<16xi32>
      %ge3A_732 = arith.cmpi sge, %add3A_717, %ge3A_731 : vector<16xi32>
      %broadcast_in_dim3A_733 = vector.broadcast %squeeze3A_644 : f32 to vector<16xf32>
      %select_n3A_734 = arith.select %ge3A_732, %broadcast_in_dim3A_733, %select_n3A_730 : vector<16xi1>, vector<16xf32>
      %ge3A_735 = vector.broadcast %squeeze3A_676 : i32 to vector<16xi32>
      %ge3A_736 = arith.cmpi sge, %add3A_717, %ge3A_735 : vector<16xi32>
      %broadcast_in_dim3A_737 = vector.broadcast %squeeze3A_646 : f32 to vector<16xf32>
      %select_n3A_738 = arith.select %ge3A_736, %broadcast_in_dim3A_737, %select_n3A_734 : vector<16xi1>, vector<16xf32>
      %ge3A_739 = vector.broadcast %squeeze3A_678 : i32 to vector<16xi32>
      %ge3A_740 = arith.cmpi sge, %add3A_717, %ge3A_739 : vector<16xi32>
      %broadcast_in_dim3A_741 = vector.broadcast %squeeze3A_648 : f32 to vector<16xf32>
      %select_n3A_742 = arith.select %ge3A_740, %broadcast_in_dim3A_741, %select_n3A_738 : vector<16xi1>, vector<16xf32>
      %ge3A_743 = vector.broadcast %squeeze3A_680 : i32 to vector<16xi32>
      %ge3A_744 = arith.cmpi sge, %add3A_717, %ge3A_743 : vector<16xi32>
      %broadcast_in_dim3A_745 = vector.broadcast %squeeze3A_650 : f32 to vector<16xf32>
      %select_n3A_746 = arith.select %ge3A_744, %broadcast_in_dim3A_745, %select_n3A_742 : vector<16xi1>, vector<16xf32>
      %ge3A_747 = vector.broadcast %squeeze3A_682 : i32 to vector<16xi32>
      %ge3A_748 = arith.cmpi sge, %add3A_717, %ge3A_747 : vector<16xi32>
      %broadcast_in_dim3A_749 = vector.broadcast %squeeze3A_652 : f32 to vector<16xf32>
      %select_n3A_750 = arith.select %ge3A_748, %broadcast_in_dim3A_749, %select_n3A_746 : vector<16xi1>, vector<16xf32>
      %ge3A_751 = vector.broadcast %squeeze3A_684 : i32 to vector<16xi32>
      %ge3A_752 = arith.cmpi sge, %add3A_717, %ge3A_751 : vector<16xi32>
      %broadcast_in_dim3A_753 = vector.broadcast %squeeze3A_654 : f32 to vector<16xf32>
      %select_n3A_754 = arith.select %ge3A_752, %broadcast_in_dim3A_753, %select_n3A_750 : vector<16xi1>, vector<16xf32>
      %ge3A_755 = vector.broadcast %squeeze3A_686 : i32 to vector<16xi32>
      %ge3A_756 = arith.cmpi sge, %add3A_717, %ge3A_755 : vector<16xi32>
      %broadcast_in_dim3A_757 = vector.broadcast %squeeze3A_656 : f32 to vector<16xf32>
      %select_n3A_758 = arith.select %ge3A_756, %broadcast_in_dim3A_757, %select_n3A_754 : vector<16xi1>, vector<16xf32>
      %ge3A_759 = vector.broadcast %squeeze3A_688 : i32 to vector<16xi32>
      %ge3A_760 = arith.cmpi sge, %add3A_717, %ge3A_759 : vector<16xi32>
      %broadcast_in_dim3A_761 = vector.broadcast %squeeze3A_658 : f32 to vector<16xf32>
      %select_n3A_762 = arith.select %ge3A_760, %broadcast_in_dim3A_761, %select_n3A_758 : vector<16xi1>, vector<16xf32>
      %ge3A_763 = vector.broadcast %squeeze3A_690 : i32 to vector<16xi32>
      %ge3A_764 = arith.cmpi sge, %add3A_717, %ge3A_763 : vector<16xi32>
      %broadcast_in_dim3A_765 = vector.broadcast %squeeze3A_660 : f32 to vector<16xf32>
      %select_n3A_766 = arith.select %ge3A_764, %broadcast_in_dim3A_765, %select_n3A_762 : vector<16xi1>, vector<16xf32>
      %ge3A_767 = vector.broadcast %squeeze3A_692 : i32 to vector<16xi32>
      %ge3A_768 = arith.cmpi sge, %add3A_717, %ge3A_767 : vector<16xi32>
      %broadcast_in_dim3A_769 = vector.broadcast %squeeze3A_662 : f32 to vector<16xf32>
      %select_n3A_770 = arith.select %ge3A_768, %broadcast_in_dim3A_769, %select_n3A_766 : vector<16xi1>, vector<16xf32>
      %ge3A_771 = vector.broadcast %squeeze3A_694 : i32 to vector<16xi32>
      %ge3A_772 = arith.cmpi sge, %add3A_717, %ge3A_771 : vector<16xi32>
      %broadcast_in_dim3A_773 = vector.broadcast %squeeze3A_664 : f32 to vector<16xf32>
      %select_n3A_774 = arith.select %ge3A_772, %broadcast_in_dim3A_773, %select_n3A_770 : vector<16xi1>, vector<16xf32>
      %ge3A_775 = vector.broadcast %squeeze3A_696 : i32 to vector<16xi32>
      %ge3A_776 = arith.cmpi sge, %add3A_717, %ge3A_775 : vector<16xi32>
      %broadcast_in_dim3A_777 = vector.broadcast %squeeze3A_666 : f32 to vector<16xf32>
      %select_n3A_778 = arith.select %ge3A_776, %broadcast_in_dim3A_777, %select_n3A_774 : vector<16xi1>, vector<16xf32>
      %add3A_779 = arith.addf %get3A_712, %select_n3A_778 : vector<16xf32>
      %exp3A_780 = math.exp %add3A_779 : vector<16xf32>
      %mul3A_781 = arith.constant 16 : i32
      %mul3A_782 = arith.muli %scan3A_708, %mul3A_781 : i32
      %swap3A_783 = arith.index_cast %mul3A_782 : i32 to index
      %swap3A_784 = tpu.vector_load %arg8[%swap3A_783] {strides = array<i32>} : memref<2048xf32, #tpu.memory_space<vmem>>, vector<16xf32>,
      tpu.vector_store %arg8[%swap3A_783], %exp3A_780 {strides = array<i32>} : memref<2048xf32, #tpu.memory_space<vmem>>, vector<16xf32>,
    }
    %scan3A_702 = arith.constant 128 : i32
    %eq3A_703 = arith.constant 0 : i32
    %eq3A_704 = arith.cmpi eq, %arg0, %eq3A_703 : i32
    %convert_element_type3A_705 = arith.extui %eq3A_704 : i1 to i32
    %cond3A_706 = arith.constant 0 : i32
    %cond3A_707 = arith.cmpi ne, %convert_element_type3A_705, %cond3A_706 : i32
    scf.if %cond3A_707 {
      "tpu.region"() ({
        %run_scoped3A = tpu.sem_alloc : memref<!tpu.dma_semaphore, #tpu.memory_space<semaphore_mem>>
        %dma_start3A = tpu.memref_slice %arg4[%mul3A_0] : memref<32768xf32, #tpu.memory_space<hbm>> -> memref<2048xf32, #tpu.memory_space<hbm>>
        %dma_start3A_708 = tpu.memref_slice %arg4[%mul3A_0] : memref<32768xf32, #tpu.memory_space<hbm>> -> memref<2048xf32, #tpu.memory_space<hbm>>
        tpu.enqueue_dma source(%arg8 : memref<2048xf32, #tpu.memory_space<vmem>>) target(%dma_start3A_708 : memref<2048xf32, #tpu.memory_space<hbm>>) target_semaphore(%run_scoped3A : memref<!tpu.dma_semaphore, #tpu.memory_space<semaphore_mem>>)
        %dma_wait3A = tpu.memref_slice %arg4[%mul3A_0] : memref<32768xf32, #tpu.memory_space<hbm>> -> memref<2048xf32, #tpu.memory_space<hbm>>
        %dma_wait3A_709 = tpu.memref_slice %arg4[%mul3A_0] : memref<32768xf32, #tpu.memory_space<hbm>> -> memref<2048xf32, #tpu.memory_space<hbm>>
        tpu.wait_dma2 semaphore(%run_scoped3A : memref<!tpu.dma_semaphore, #tpu.memory_space<semaphore_mem>>) src(%arg8 : memref<2048xf32, #tpu.memory_space<vmem>>) dst(%dma_wait3A_709 : memref<2048xf32, #tpu.memory_space<hbm>>)
        tpu.yield
      }) : () -> ()
    } else {
    }
    return
  }
}

</mosaic_0001>

<sc_bundles>
// kernel: kernel.3.cloned.1.call-start
scs
__scs_entry_jumppad:
0x0: {  	(pc) =	sbr.rel $0x88, $3  }
0x1: {  	(tag) =	ssettag $0x0;
	lr =	simm.s32 $0x1  }
0x2: {  	[smem:$0x3F9F] =	sst lr;
	_ =	strace $0xD0000000  }
0x3: {  	_ = 	snop  }
0x4: {  	_ = 	snop  }
0x5: {  	_ = 	snop  }
0x6: {  	_ = 	snop  }
0x7: {  	_ = 	snop  }
__scs_overlays_trampoline_lowered:
0x8: {  	[smem:$0x3FAE] =	sst s0  }
0x9: {  	[smem:$0x3FAF] =	sst s1  }
0xa: {  	[smem:$0x3FB0] =	sst s2  }
0xb: {  	[smem:$0x3FB1] =	sst s3  }
0xc: {  	[smem:$0x3FB2] =	sst s4  }
0xd: {  	[smem:$0x3FB3] =	sst s5  }
0xe: {  	[smem:$0x3FB4] =	sst s6  }
0xf: {  	[smem:$0x3FB5] =	sst s7  }
0x10: {  	[smem:$0x3FB6] =	sst s8  }
0x11: {  	[smem:$0x3FB7] =	sst s9;
	s0 =	simm.s32 @!p0 $0x0  }
0x12: {  	s1 =	sld [smem:$0x3F9D];
	s0 =	simm.s32 @p0 $0x1  }
0x13: {  	[smem:$0x3FB8] =	sst s0;
	s0 =	simm.s32 @!p1 $0x0  }
0x14: {  	s2 =	sld [smem:$0x3F9C];
	s0 =	simm.s32 @p1 $0x1  }
0x15: {  	[smem:$0x3FB9] =	sst s0;
	s0 =	simm.s32 @!p2 $0x0  }
0x16: {  	s3 =	sld [smem:$0x3FDB];
	s0 =	simm.s32 @p2 $0x1  }
0x17: {  	s4 =	simm.s32 $0x1BF5;
	[smem:$0x3FBB] =	sst s0  }
0x18: {  	s0 =	sld [smem:$0x3F9E];
	_ =	swait.ge [sflag:s4], $0x0  }
0x19: {  	s7 =	sld [smem:$0x3F9F]  }
0x1a: {  	s8 =	sadd.s32 $0xFFFFE003, lr  }
0x1b: {  	s9 =	sadd.s32 $0xFFFFFEF7, lr;
	s5 =	simm.s32 $0xFFFFFFFF;
	p2 =	slt.u32 s8, $0xFFFFF086  }
0x1c: {  	p1 =	slt.u32 s9, $0xF7A;
	s5 =	simm.s32 @!p2 $0x0  }
0x1d: {  	s5 =	simm.s32 @p1 $0x1;
	p0 =	seq.s32 s7, s2  }
0x1e: {  	s7 =	smul.u32 @!p0 $0xF7A, s2;
	p2 =	seq.s32 @!p0 s5, $0x0  }
0x1f: {  	s9 =	smul.u32 $0xF7A, s1;
	s8 =	simm.s32 @!p0 $0x1BF5;
	p2 =	por !p2, p0  }
0x20: {  	[sflag:s8] =	ssyncset.s32 @!p0 $0xFFFFF086;
	s6 =	sadd.s32 @!p0 s3, s7;
	s7 =	simm.s32 @!p0 $0x108  }
0x21: {  	s3 =	sadd.s32 s3, s9;
	s6 =	sadd.s32 @!p0 $0x88, s6;
	s7 =	simm.s32 @p2 $0x1082  }
0x22: {  	[simem:s7], [sflag:s8] =	dma.local @!p0 [hbm:s6], $0xF7A  }
0x23: {  	s9 =	sor.u32 $0xD0000000, s2;
	s6 =	simm.s32 $0x108;
	_ =	swait.ge @!p0 [sflag:s8], $0x0  }
0x24: {  	s3 =	sadd.s32 $0x88, s3;
	s6 =	simm.s32 @!p1 $0x1082;
	[sflag:s4] =	ssyncset.s32 $0xFFFFF086  }
0x25: {  	[simem:s6], [sflag:s4] =	dma.local [hbm:s3], $0xF7A  }
0x26: {  	[smem:$0x3F9F] =	sst s1;
	(tag) =	ssettag s2;
	_ =	strace s9  }
0x27: {  	s1 =	sld [smem:$0x3FAF]  }
0x28: {  	s2 =	sld [smem:$0x3FB0]  }
0x29: {  	s4 =	sld [smem:$0x3FB2]  }
0x2a: {  	p0 =	seq.s32 s5, $0x0;
	s5 =	sld [smem:$0x3FB3]  }
0x2b: {  	s6 =	sld [smem:$0x3FB4]  }
0x2c: {  	s7 =	sld [smem:$0x3FB5]  }
0x2d: {  	s3 =	simm.s32 $0x108;
	s8 =	sld [smem:$0x3FB6]  }
0x2e: {  	s3 =	simm.s32 @!p0 $0x1082;
	s9 =	sld [smem:$0x3FB7]  }
0x2f: {  	lr =	sadd.s32 s0, s3;
	s0 =	sld [smem:$0x3FAE]  }
0x30: {  	s3 =	sld [smem:$0x3FB1]  }
0x31: {  	[smem:$0x3FBA] =	sst s10  }
0x32: {  	s10 =	sld [smem:$0x3FB8];
	_ =	sdelay $0x3  }
0x33: {  	p0 =	seq.s32 s10, $0x1;
	s10 =	sld [smem:$0x3FBA];
	_ =	sdelay $0x3  }
0x34: {  	[smem:$0x3FBA] =	sst s10  }
0x35: {  	s10 =	sld [smem:$0x3FB9];
	_ =	sdelay $0x3  }
0x36: {  	p1 =	seq.s32 s10, $0x1;
	s10 =	sld [smem:$0x3FBA];
	_ =	sdelay $0x3  }
0x37: {  	[smem:$0x3FBA] =	sst s10  }
0x38: {  	s10 =	sld [smem:$0x3FBB]  }
0x39: {  	_ = 	snop;
	(pc) =	sbr.ind lr, $3  }
0x3a: {  	_ = 	snop  }
0x3b: {  	_ = 	snop  }
0x3c: {  	p2 =	seq.s32 s10, $0x1;
	s10 =	sld [smem:$0x3FBA]  }
0x3d: {  	_ =	shalt  }
0x3e: {  	_ =	shalt  }
0x3f: {  	_ =	shalt  }
0x40: {  	_ =	shalt  }
0x41: {  	_ =	shalt  }
0x42: {  	_ =	shalt  }
0x43: {  	_ =	shalt  }
0x44: {  	_ =	shalt  }
0x45: {  	_ =	shalt  }
0x46: {  	_ =	shalt  }
0x47: {  	_ =	shalt  }
0x48: {  	_ =	shalt  }
0x49: {  	_ =	shalt  }
0x4a: {  	_ =	shalt  }
0x4b: {  	_ =	shalt  }
0x4c: {  	_ =	shalt  }
0x4d: {  	_ =	shalt  }
0x4e: {  	_ =	shalt  }
0x4f: {  	_ =	shalt  }
0x50: {  	_ =	shalt  }
0x51: {  	_ =	shalt  }
0x52: {  	_ =	shalt  }
0x53: {  	_ =	shalt  }
0x54: {  	_ =	shalt  }
0x55: {  	_ =	shalt  }
0x56: {  	_ =	shalt  }
0x57: {  	_ =	shalt  }
0x58: {  	_ =	shalt  }
0x59: {  	_ =	shalt  }
0x5a: {  	_ =	shalt  }
0x5b: {  	_ =	shalt  }
0x5c: {  	_ =	shalt  }
0x5d: {  	_ =	shalt  }
0x5e: {  	_ =	shalt  }
0x5f: {  	_ =	shalt  }
0x60: {  	_ =	shalt  }
0x61: {  	_ =	shalt  }
0x62: {  	_ =	shalt  }
0x63: {  	_ =	shalt  }
0x64: {  	_ =	shalt  }
0x65: {  	_ =	shalt  }
0x66: {  	_ =	shalt  }
0x67: {  	_ =	shalt  }
0x68: {  	_ =	shalt  }
0x69: {  	_ =	shalt  }
0x6a: {  	_ =	shalt  }
0x6b: {  	_ =	shalt  }
0x6c: {  	_ =	shalt  }
0x6d: {  	_ =	shalt  }
0x6e: {  	_ =	shalt  }
0x6f: {  	_ =	shalt  }
0x70: {  	_ =	shalt  }
0x71: {  	_ =	shalt  }
0x72: {  	_ =	shalt  }
0x73: {  	_ =	shalt  }
0x74: {  	_ =	shalt  }
0x75: {  	_ =	shalt  }
0x76: {  	_ =	shalt  }
0x77: {  	_ =	shalt  }
0x78: {  	_ =	shalt  }
0x79: {  	_ =	shalt  }
0x7a: {  	_ =	shalt  }
0x7b: {  	_ =	shalt  }
0x7c: {  	_ =	shalt  }
0x7d: {  	_ =	shalt  }
0x7e: {  	_ =	shalt  }
0x7f: {  	_ =	shalt  }
0x80: {  	_ =	shalt  }
0x81: {  	_ =	shalt  }
0x82: {  	_ =	shalt  }
0x83: {  	_ =	shalt  }
0x84: {  	_ =	shalt  }
0x85: {  	_ =	shalt  }
0x86: {  	_ =	shalt  }
0x87: {  	_ =	shalt  }
.Lfunc_end0:
.L_simem_size_0:
called_computation_lowered:
.L_overlay_start_0:
0x88: {  	s2 =	sld [smem:$0x3FD9]  }
0x89: {  	s3 =	sld [smem:$0x3FFE];
	_ =	sdelay $0x1  }
0x8a: {  	s1 =	srdreg.scid  }
0x8b: {  	s0 =	sand.u32 $0x1, s1  }
0x8c: {  	s14 =	sshll.u32 s0, $0xA;
	s2 =	sadd.s32 s3, s2  }
0x8d: {  	s2 =	sadd.s32 s2, s14  }
0x8e: {  	[smem:$0x3FC6] =	sst s2  }
0x8f: {  	_ = 	snop  }
0x90: {  	s2 =	sld [smem:$0x3FD0];
	_ =	sdelay $0x1  }
0x91: {  	s15 =	sld [smem:$0x3FC9]  }
0x92: {  	s5 =	simm.s32 $0xA;
	s6 =	simm.s32 $0x10;
	s4 =	sld [smem:$0x3FC8]  }
0x93: {  	[smem:s6], [sflag:s5] =	dma.local [hbm:s2], $0x1  }
0x94: {  	_ =	swait.eq [sflag:s5], $0x1  }
0x95: {  	[sflag:s5] =	ssyncset.done $0x0  }
0x96: {  	s16 =	sld [smem:$0x10];
	[sflag:s5] =	ssyncadd.s32 $0xFFFFFFFF  }
0x97: {  	s17 =	sld [smem:$0x11];
	(tm) =	ssettm $0x1  }
0x98: {  	s18 =	sld [smem:$0x3FFB];
	_ =	sdelay $0x3  }
0x99: {  	_ =	strace s18  }
0x9a: {  	s6 =	sld [smem:$0x3FFC];
	_ =	sdelay $0x3  }
0x9b: {  	_ =	strace s6  }
0x9c: {  	s6 =	sld [smem:$0x3FFD];
	_ =	sdelay $0x3  }
0x9d: {  	_ =	strace s6  }
0x9e: {  	_ =	strace $0x8FFFFFFF  }
0x9f: {  	s19 =	sld [smem:$0x3FDB];
	_ =	sdelay $0x1  }
0xa0: {  	s7 =	simm.s32 $_scs_section_size  }
0xa1: {  	s8 =	simm.s32 $_size__tile_overlayer_lowered;
	s9 =	simm.s32 $_tile_overlayer_lowered  }
0xa2: {  	s22 =	simm.s32 $0x1BFF;
	s21 =	sshll.u32 s9, $0x1;
	s6 =	sadd.s32 s7, s19  }
0xa3: {  	s10 =	simm.s32 $0x0;
	s20 =	sshll.u32 s8, $0x1;
	s8 =	sadd.s32 s21, s6  }
0xa4: {  	[timem:s10], [sflag:s22] =	dma.local [hbm:s8], s20  }
0xa5: {  	_ =	swait.ge [sflag:s22], s20  }
0xa6: {  	s7 =	ssub.s32 $0x0, s20;
	[sflag:s22] =	ssyncset.done $0x0  }
0xa7: {  	[sflag:s22] =	ssyncadd.s32 s7;
	_ =	sdelay $0x1  }
0xa8: {  	s23 =	simm.s32 $0x1B8B  }
0xa9: {  	_ =	swait.ge [sflag:s23], $0x1  }
0xaa: {  	[sflag:s23] =	ssyncset.done $0x0  }
0xab: {  	s25 =	simm.s32 $0x1B8E;
	s24 =	sld [smem:$0x3FFE];
	[sflag:s23] =	ssyncadd.s32 $0xFFFFFFFF  }
0xac: {  	s26 =	simm.s32 $execute0_lowered;
	[smem:$0x3FD2] =	sst s25  }
0xad: {  	s8 =	sshll.u32 s26, $0x1;
	_ =	strace $0x80000046;
	[dreg:$0x1] =	wrdreg $0xFFFFFFFF  }
0xae: {  	s28 =	simm.s32 $_size_execute0_lowered;
	s6 =	sadd.s32 s6, s8;
	[dreg:$0x0] =	wrdreg $0x0  }
0xaf: {  	s8 =	sshll.u32 s28, $0x1;
	[dreg:$0x2] =	wrdreg s6  }
0xb0: {  	[dreg:$0x3] =	wrdreg s8  }
0xb1: {  	[dreg:$0x4] =	wrdreg $0xC0  }
0xb2: {  	_ =	task [dreg:s10], $0x5FFFF  }
0xb3: {  	[dreg:$0x1] =	wrdreg $0xFFFFFFFF  }
0xb4: {  	[dreg:$0x0] =	wrdreg $0x60  }
0xb5: {  	[dreg:$0x2] =	wrdreg s15  }
0xb6: {  	[dreg:$0x3] =	wrdreg s4  }
0xb7: {  	[dreg:$0x4] =	wrdreg s16  }
0xb8: {  	[dreg:$0x5] =	wrdreg s17  }
0xb9: {  	[dreg:$0x6] =	wrdreg s24  }
0xba: {  	[dreg:$0x7] =	wrdreg $0x9  }
0xbb: {  	_ =	task.clear_ibuf [dreg:s10], $0x8FFFF;
	_ =	strace $0x90000046  }
0xbc: {  	s29 =	simm.s32 $0x9;
	_ =	strace $0x80000048  }
0xbd: {  	_ =	swait.ge [sflag:s29], $0x1  }
0xbe: {  	[sflag:s29] =	ssyncadd.s32 $0xFFFFFFFF  }
0xbf: {  	_ =	strace $0x90000048  }
0xc0: {  	_ =	sfence  }
0xc1: {  	s30 =	sld [smem:$0x0];
	_ =	sdelay $0x2  }
0xc2: {  	s31 =	sshll.u32 s1, $0xD;
	s1 =	sshrl.u32 s1, $0x2  }
0xc3: {  	s3 =	sand.u32 $0x4000, s31;
	s1 =	sadd.s32 s1, s30  }
0xc4: {  	s0 =	sor.u32 s3, s0;
	s1 =	sshll.u32 s1, $0x11  }
0xc5: {  	s0 =	sor.u32 s1, s0  }
0xc6: {  	s0 =	sadd.s32 $0x8F2B, s0  }
0xc7: {  	[sflag:s0] =	ssyncadd.remote.s32 $0x1  }
0xc8: {  	_ =	sfence.sel $0xFFFF  }
0xc9: {  	[dreg:$0x0] =	wrdreg $0xFFFFFFFF;
	(pc) =	sbr.abs _section_cstart, $3  }
0xca: {  	[dreg:$0x1] =	wrdreg $0xFFFFFFFF  }
0xcb: {  	_ =	task.clear_ibuf [dreg:s10], $0x2FFFF;
	_ =	strace $0x9FFFFFFF  }
0xcc: {  	(tm) =	ssettm $0x7FFFFFFF  }
0xcd: {  	_ =	shalt  }
tec
execute0_lowered:
.L_overlay_start_1:
0x0: {  	(tag) =	ssettag $0x1  }
0x1: {  	s0 =	rddreg [dreg:$0x0]  }
0x2: {  	s6 =	rddreg [dreg:$0x1]  }
0x3: {  	s8 =	rddreg [dreg:$0x2]  }
0x4: {  	s2 =	rddreg [dreg:$0x3];
	s9 =	stileid.u32;
	vm0 =	vmxor vm0, vm0;
	v0 =	vimm.s32 $0x0;
	v1 =	vimm.s32 $0x87654321  }
0x5: {  	s4 =	rddreg [dreg:$0x4];
	s5 =	srdreg.scid;
	v4 =	vlaneseq.u32;
	p0 =	sgt.u32 s9, $0x1;
	vm1 =	vmmov vm0;
	vm2 =	vmmov vm0  }
0x6: {  	s1 =	rddreg [dreg:$0x5];
	s3 =	simm.s32 $0x0;
	s14 =	simm.s32 $0x1180;
	vm3 =	vmmov vm0;
	vm4 =	vmmov vm0;
	vm1 =	vmneg @p0 vm1  }
0x7: {  	s15 =	simm.s32 $0x2180;
	[smem:$0x7FF] =	sst s3;
	p1 =	sgt.u32 s9, $0x2;
	vm5 =	vmmov vm0;
	vm6 =	vmmov vm0;
	v0 =	vsel vm1, $0xFFFFFFFF, v0  }
0x8: {  	s16 =	simm.s32 $0x2200;
	s17 =	sand.u32 $0x1, s5;
	vm7 =	vmmov vm0;
	_ =	strace $0x80000047;
	vm2 =	vmneg @p1 vm2;
	[tilespmem:$0x1FFD0] =	vst v0;
	v0 =	vimm.s32 $0x0  }
0x9: {  	s4 =	sadd.s32 $0x800, s4;
	s11 =	sshll.u32 s9, $0x8;
	p2 =	sgt.u32 s9, $0x3;
	vm8 =	vmmov vm0;
	v1 =	vunpack.c.l.s4.s8 v1;
	v0 =	vsel vm2, $0xFFFFFFFF, v0  }
0xa: {  	s31 =	sshll.u32 s9, $0x5;
	p3 =	sgt.u32 s9, $0x8;
	p4 =	sgt.u32 s9, $0x9;
	vm9 =	vmmov vm0;
	vm3 =	vmneg @p2 vm3;
	[tilespmem:$0x1FFE0] =	vst v0;
	v0 =	vimm.s32 $0x0  }
0xb: {  	p5 =	sgt.u32 s9, $0xC;
	vm10 =	vmmov vm0;
	vm11 =	vmmov vm0;
	s5 =	ssub.s32 $0x2, s17;
	s6 =	sadd.s32 s6, s11;
	v0 =	vsel vm3, $0xFFFFFFFF, v0  }
0xc: {  	vm12 =	vmmov vm0;
	vm13 =	vmmov vm0;
	p1 =	sgt.u32 s9, $0x4;
	p0 =	sne.s32 s9, $0x0;
	p2 =	sgt.u32 s9, $0x6;
	[tilespmem:$0x1FFF0] =	vst v0;
	v0 =	vimm.s32 $0xFFEDCBA9  }
0xd: {  	vm8 =	vmneg @p3 vm8;
	p3 =	sgt.u32 s9, $0xB;
	vm9 =	vmneg @p4 vm9;
	p4 =	sgt.u32 s9, $0xD;
	s12 =	sor.u32 s17, s9;
	v0 =	vunpack.c.l.s4.s8 v0  }
0xe: {  	vm14 =	vmmov vm0;
	vm12 =	vmneg @p5 vm12;
	s8 =	sadd.s32 s8, s11;
	s11 =	simm.s32 $0x1000;
	s7 =	sshrl.u32 s5, $0x1;
	vm4 =	vmneg @p1 vm4  }
0xf: {  	p1 =	sgt.u32 s9, $0x5;
	vm6 =	vmneg @p2 vm6;
	p2 =	seq.s32 s9, $0xF;
	v1 =	vunpack.c.0.s8.s32 v1;
	s10 =	ssub.s32 s5, s7;
	v2 =	vunpack.c.0.s8.s32 v0  }
0x10: {  	vm11 =	vmneg @p3 vm11;
	vm13 =	vmneg @p4 vm13;
	s5 =	sshll.u32 s9, $0xB;
	s7 =	sadd.s32 s4, s31;
	vm5 =	vmneg @p1 vm5;
	p1 =	sgt.u32 s9, $0x7  }
0x11: {  	vm0 =	vmneg @p2 vm0;
	p2 =	sne.s32 s17, $0x0;
	s17 =	simm.s32 $0x0;
	vm7 =	vmneg @p1 vm7;
	p1 =	sgt.u32 s9, $0xA;
	v3 =	vcombine.low v1, v2  }
0x12: {  	vm14 =	vmneg @p0 vm14;
	s13 =	sadd.s32 $0x800, s5;
	s9 =	smax.u32 s10, $0x1;
	s10 =	simm.s32 $0x1;
	vm10 =	vmneg @p1 vm10;
	v0 =	vmov s5  }
0x13: {  	p1 =	sne.s32 s12, $0x0;
	s12 =	simm.s32 $0x800;
	v1 =	vmov s13;
	s13 =	simm.s32 $0x1080;
	v2 =	vimm.s32 $0xFFFFFF81;
	v3 =	vand.u32 $0xF, v3  }
.LBB2_1:
0x14: {  	[tilespmem:s3], [sflag:$0x1] =	stream.linear.gather [hbm4b:s6+s3], $0x800, $0x38;
	[tilespmem:$0x2300] =	vst v63  }
0x15: {  	_ =	swait.ge [sflag:s10], $0x800  }
0x16: {  	[sflag:s10] =	ssyncset.done $0x0  }
0x17: {  	[sflag:s10] =	ssyncadd.s32 $0xFFFFF800  }
0x18: {  	[tilespmem:s11], [sflag:$0x1] =	stream.linear.gather [hbm4b:s0+s3], $0x10, $0x38;
	[tilespmem:$0x2300] =	vst v63  }
0x19: {  	_ =	swait.ge [sflag:s10], $0x10  }
0x1a: {  	[sflag:s10] =	ssyncset.done $0x0  }
0x1b: {  	s18 =	simm.s32 $0x0;
	[sflag:s10] =	ssyncadd.s32 $0xFFFFFFF0  }
0x1c: {  	v5 =	vld [tilespmem:s18+$0x0];
	_ =	sdelay $0x4  }
0x1d: {  	v5 =	vsub.f32 $1.000000000e+00, v5;
	_ =	sdelay $0x1  }
0x1e: {  	v5 =	vmax.f32 v5, $9.999999970e-07  }
0x1f: {  	v5 =	vmin.f32 v5, $1.000000000e+00  }
0x20: {  	v6 =	vand.u32 $0x7FFFFF, v5  }
0x21: {  	s19 =	simm.s32 $0x10;
	v6 =	vor.u32 $0x3F800000, v6  }
0x22: {  	v8 =	vld [tilespmem:s19+$0x0];
	v7 =	vmul.f32 $5.000000000e-01, v6  }
0x23: {  	vm2 =	vgt.f32 v6, $1.414213540e+00  }
0x24: {  	v6 =	vsel vm2, v7, v6  }
0x25: {  	v7 =	vadd.f32 $1.000000000e+00, v6;
	_ =	sdelay $0x1  }
0x26: {  	(erf) = vrcp.f32 v7;
	v7 =	vsub.f32 $1.000000000e+00, v8;
	_ =	sdelay $0x1  }
0x27: {  	v7 =	vmax.f32 v7, $9.999999970e-07  }
0x28: {  	v9 =	vmin.f32 v7, $1.000000000e+00  }
0x29: {  	v7 =	vand.u32 $0x7FFFFF, v9  }
0x2a: {  	s20 =	simm.s32 $0x20;
	v7 =	vor.u32 $0x3F800000, v7  }
0x2b: {  	v10 =	vld [tilespmem:s20+$0x0];
	v8 =	vmul.f32 $5.000000000e-01, v7;
	_ =	sdelay $0x1  }
0x2c: {  	vm3 =	vgt.f32 v7, $1.414213540e+00  }
0x2d: {  	v6 =	vadd.f32 $-1.000000000e+00, v6;
	v7 =	vsel vm3, v8, v7  }
0x2e: {  	v11 =	vadd.f32 $1.000000000e+00, v7;
	v8 =	vpop (erf)  }
0x2f: {  	v6 =	vmul.f32 v8, v6;
	v8 =	vsub.f32 $1.000000000e+00, v10  }
0x30: {  	(erf) = vrcp.f32 v11  }
0x31: {  	v10 =	vmul.f32 v6, v6;
	v8 =	vmax.f32 v8, $9.999999970e-07  }
0x32: {  	v12 =	vmin.f32 v8, $1.000000000e+00  }
0x33: {  	v11 =	vmul.f32 $9.090909360e-02, v10;
	v8 =	vand.u32 $0x7FFFFF, v12  }
0x34: {  	v8 =	vor.u32 $0x3F800000, v8  }
0x35: {  	v11 =	vadd.f32 $1.111111120e-01, v11;
	v13 =	vmul.f32 $5.000000000e-01, v8  }
0x36: {  	s21 =	simm.s32 $0x30  }
0x37: {  	v14 =	vld [tilespmem:s21+$0x0];
	v5 =	vshra.s32 v5, $0x17;
	vm2 =	vmmov vm2;
	v11 =	vmul.f32 v11, v10  }
0x38: {  	vm2 =	vmmov vm2;
	v7 =	vadd.f32 $-1.000000000e+00, v7;
	vm1 =	vgt.f32 v8, $1.414213540e+00  }
0x39: {  	vm15 =	vmmov vm2;
	v8 =	vsel vm1, v13, v8;
	v11 =	vadd.f32 $1.428571490e-01, v11;
	v13 =	vpop (erf)  }
0x3a: {  	v18 =	vsel vm15, $0xFFFFFF82, v2;
	v15 =	vadd.f32 $1.000000000e+00, v8;
	v13 =	vmul.f32 v13, v7  }
0x3b: {  	v5 =	vadd.s32 v5, v18;
	v7 =	vmul.f32 v11, v10  }
0x3c: {  	(erf) = vrcp.f32 v15;
	v11 =	vsub.f32 $1.000000000e+00, v14;
	v14 =	vmul.f32 v13, v13  }
0x3d: {  	v5 =	vcvt.s32.f32 v5;
	v15 =	vadd.f32 $2.000000030e-01, v7  }
0x3e: {  	v7 =	vmax.f32 v11, $9.999999970e-07;
	v11 =	vmul.f32 $9.090909360e-02, v14  }
0x3f: {  	v5 =	vmul.f32 $6.931471820e-01, v5;
	v15 =	vmul.f32 v15, v10  }
0x40: {  	v9 =	vshra.s32 v9, $0x17;
	v7 =	vmin.f32 v7, $1.000000000e+00;
	v11 =	vadd.f32 $1.111111120e-01, v11  }
0x41: {  	s22 =	simm.s32 $0x40;
	vm3 =	vmmov vm3;
	v16 =	vand.u32 $0x7FFFFF, v7;
	v15 =	vadd.f32 $3.333333430e-01, v15  }
0x42: {  	v19 =	vld [tilespmem:s22+$0x0];
	vm3 =	vmmov vm3;
	v16 =	vor.u32 $0x3F800000, v16;
	v11 =	vmul.f32 v11, v14  }
0x43: {  	vm3 =	vmmov vm3;
	v17 =	vmul.f32 $5.000000000e-01, v16;
	v10 =	vmul.f32 v15, v10  }
0x44: {  	v8 =	vadd.f32 $-1.000000000e+00, v8;
	vm2 =	vgt.f32 v16, $1.414213540e+00;
	v11 =	vadd.f32 $1.428571490e-01, v11  }
0x45: {  	v6 =	vadd.f32 v6, v6;
	v15 =	vsel vm2, v17, v16;
	v16 =	vpop (erf);
	v10 =	vadd.f32 $1.000000000e+00, v10  }
0x46: {  	v18 =	vsel vm3, $0xFFFFFF82, v2;
	v20 =	vmul.f32 v16, v8;
	v8 =	vmul.f32 v11, v14  }
0x47: {  	v17 =	vadd.f32 $1.000000000e+00, v15;
	v6 =	vmul.f32 v10, v6;
	v10 =	vsub.f32 $1.000000000e+00, v19  }
0x48: {  	v9 =	vadd.s32 v9, v18;
	v16 =	vmul.f32 v20, v20;
	v11 =	vadd.f32 $2.000000030e-01, v8  }
0x49: {  	(erf) = vrcp.f32 v17;
	v6 =	vadd.f32 v6, v5;
	v5 =	vmax.f32 v10, $9.999999970e-07  }
0x4a: {  	v8 =	vmin.f32 v5, $1.000000000e+00;
	v5 =	vmul.f32 $9.090909360e-02, v16;
	v10 =	vmul.f32 v11, v14  }
0x4b: {  	v9 =	vcvt.s32.f32 v9  }
0x4c: {  	(xrf2) =	vadd.scan.msk.f32 $0xffff, v6;
	v5 =	vadd.f32 $1.111111120e-01, v5;
	v10 =	vadd.f32 $3.333333430e-01, v10  }
0x4d: {  	s23 =	simm.s32 $0x50;
	v9 =	vmul.f32 $6.931471820e-01, v9;
	v11 =	vand.u32 $0x7FFFFF, v8  }
0x4e: {  	v19 =	vld [tilespmem:s23+$0x0];
	v11 =	vor.u32 $0x3F800000, v11;
	v5 =	vmul.f32 v5, v16;
	v10 =	vmul.f32 v10, v14  }
0x4f: {  	v12 =	vshra.s32 v12, $0x17;
	vm1 =	vmmov vm1;
	v17 =	vmul.f32 $5.000000000e-01, v11  }
0x50: {  	v13 =	vadd.f32 v13, v13;
	vm15 =	vgt.f32 v11, $1.414213540e+00;
	v5 =	vadd.f32 $1.428571490e-01, v5  }
0x51: {  	v14 =	vadd.f32 $-1.000000000e+00, v15;
	v21 =	vsel vm15, v17, v11;
	v11 =	vadd.f32 $1.000000000e+00, v10  }
0x52: {  	vm1 =	vmmov vm1;
	v15 =	vadd.f32 $1.000000000e+00, v21;
	v10 =	vpop (erf);
	v5 =	vmul.f32 v5, v16  }
0x53: {  	v13 =	vmul.f32 v11, v13;
	v10 =	vmul.f32 v10, v14;
	v14 =	vsub.f32 $1.000000000e+00, v19  }
0x54: {  	vm2 =	vmmov vm2;
	(erf) = vrcp.f32 v15;
	v15 =	vadd.f32 $2.000000030e-01, v5  }
0x55: {  	v5 =	vadd.f32 v13, v9;
	v11 =	vmul.f32 v10, v10;
	v9 =	vmax.f32 v14, $9.999999970e-07  }
0x56: {  	vm3 =	vmmov vm1;
	vm1 =	vmmov vm2;
	v17, _, _ =	vpop (xrf2);
	v9 =	vmin.f32 v9, $1.000000000e+00  }
0x57: {  	v14 =	vmul.f32 v15, v16;
	(v2sf) =	vpush v17, $0xF;
	v13 =	vmul.f32 $9.090909360e-02, v11  }
0x58: {  	vm15 =	vmmov vm15;
	v19 =	vsel vm3, $0xFFFFFF82, v2;
	(xrf2) =	vadd.scan.msk.f32 $0xffff, v5;
	v15 =	vand.u32 $0x7FFFFF, v9  }
0x59: {  	v15 =	vor.u32 $0x3F800000, v15;
	v14 =	vadd.f32 $3.333333430e-01, v14;
	v13 =	vadd.f32 $1.111111120e-01, v13  }
0x5a: {  	v22 =	vadd.s32 v12, v19;
	v19 =	vadd.f32 $-1.000000000e+00, v21;
	v18 =	vmul.f32 $5.000000000e-01, v15  }
0x5b: {  	s24 =	simm.s32 $0x60;
	v6 =	vsub.f32 v17, v6;
	v17 =	vmul.f32 v13, v11;
	v13 =	vmul.f32 v14, v16  }
0x5c: {  	s25 =	simm.f32 $0.0e+00;
	s26 =	simm.s32 $0x1C0;
	v12 =	vadd.f32 v20, v20;
	vm2 =	vgt.f32 v15, $1.414213540e+00;
	v16 =	vld [tilespmem:s24+$0x0];
	v14 =	vcvt.s32.f32 v22  }
.LBB2_2:
0x5d: {  	v20 =	vsel vm2, v18, v15;
	v17 =	vadd.f32 $1.428571490e-01, v17;
	v13 =	vadd.f32 $1.000000000e+00, v13  }
0x5e: {  	p3 =	sne.s32 s26, $0x1FC0;
	v15 =	vpop (erf);
	vm3 =	vmmov vm1;
	vm1 =	vmmov vm15;
	vm15 =	vmmov vm2  }
0x5f: {  	v18 =	vadd.f32 $1.000000000e+00, v20;
	v21 =	vmul.f32 v15, v19;
	v22 =	vmul.f32 $6.931471820e-01, v14  }
0x60: {  	v6 =	vadd.f32 s25, v6;
	v15 =	vmul.f32 v17, v11;
	v12 =	vmul.f32 v13, v12  }
0x61: {  	v13 =	vsub.f32 $1.000000000e+00, v16;
	(erf) = vrcp.f32 v18  }
0x62: {  	v19 =	vmul.f32 v21, v21;
	v15 =	vadd.f32 $2.000000030e-01, v15;
	v12 =	vadd.f32 v12, v22;
	v14, _, _ =	vpop (xrf2);
	[tilespmem:s18+$0x800] =	vst v6;
	s18 =	smov.u32 s19;
	s19 =	smov.u32 s20;
	s20 =	smov.u32 s21  }
0x63: {  	s21 =	smov.u32 s22;
	s22 =	smov.u32 s23;
	s23 =	smov.u32 s24;
	v13 =	vmax.f32 v13, $9.999999970e-07;
	v6 =	vsub.f32 v14, v5;
	(v2sf) =	vpush v14, $0xF  }
0x64: {  	v14 =	vmul.f32 $9.090909360e-02, v19;
	v13 =	vmin.f32 v13, $1.000000000e+00;
	v16 =	vmul.f32 v15, v11;
	(xrf2) =	vadd.scan.msk.f32 $0xffff, v12;
	v5 =	vmovc v12  }
.Ltmp0:
0x65: {  	v22 =	vshra.s32 v7, $0x17;
	v7 =	vmovc v8;
	v8 =	vmovc v9;
	v12 =	vand.u32 $0x7FFFFF, v13;
	v9 =	vmov v13;
	(pc) =	sbr.rel @p3 .LBB2_2-.Ltmp0, $4  }
0x66: {  	v15 =	vor.u32 $0x3F800000, v12;
	v12 =	vadd.f32 $1.111111120e-01, v14;
	v13 =	vadd.f32 $3.333333430e-01, v16;
	s28 =	spop (v2sf)  }
0x67: {  	s24 =	sshra.s32 s26, $0x2;
	v14 =	vsel vm3, $0xFFFFFF82, v2;
	vm2 =	vgt.f32 v15, $1.414213540e+00;
	v18 =	vmul.f32 $5.000000000e-01, v15;
	s25 =	sadd.f32 s28, s25  }
0x68: {  	v14 =	vadd.s32 v22, v14;
	v16 =	vld [tilespmem:s24+$0x0];
	v17 =	vmul.f32 v12, v19;
	v13 =	vmul.f32 v13, v11;
	v11 =	vmovc v19  }
0x69: {  	s26 =	sadd.s32 $0x40, s26;
	v19 =	vadd.f32 $-1.000000000e+00, v20;
	v12 =	vadd.f32 v10, v10;
	v14 =	vcvt.s32.f32 v14;
	v10 =	vmovc v21  }
0x6a: {  	v15 =	vsel vm2, v18, v15  }
0x6b: {  	v18 =	vadd.f32 $1.000000000e+00, v15;
	_ =	sdelay $0x1  }
0x6c: {  	(erf) = vrcp.f32 v18;
	_ =	sdelay $0x4  }
0x6d: {  	v16 =	vsub.f32 $1.000000000e+00, v16;
	v18 =	vpop (erf)  }
0x6e: {  	v18 =	vmul.f32 v18, v19  }
0x6f: {  	v17 =	vadd.f32 $1.428571490e-01, v17;
	v16 =	vmax.f32 v16, $9.999999970e-07  }
0x70: {  	v15 =	vadd.f32 $-1.000000000e+00, v15;
	v16 =	vmin.f32 v16, $1.000000000e+00;
	v19 =	vmul.f32 v18, v18  }
0x71: {  	v17 =	vmul.f32 v17, v11;
	v20 =	vand.u32 $0x7FFFFF, v16;
	v22 =	vpop (erf)  }
0x72: {  	v20 =	vor.u32 $0x3F800000, v20;
	v21 =	vmul.f32 $9.090909360e-02, v19;
	v15 =	vmul.f32 v22, v15  }
0x73: {  	v17 =	vadd.f32 $2.000000030e-01, v17;
	v23 =	vmul.f32 $5.000000000e-01, v20  }
0x74: {  	vm3 =	vgt.f32 v20, $1.414213540e+00;
	v21 =	vadd.f32 $1.111111120e-01, v21;
	v22 =	vmul.f32 v15, v15  }
0x75: {  	v13 =	vadd.f32 $1.000000000e+00, v13;
	v17 =	vmul.f32 v17, v11;
	v20 =	vsel vm3, v23, v20  }
0x76: {  	v23 =	vadd.f32 $1.000000000e+00, v20;
	v21 =	vmul.f32 v21, v19;
	v24 =	vmul.f32 $9.090909360e-02, v22  }
0x77: {  	vm1 =	vmmov vm1;
	v7 =	vshra.s32 v7, $0x17;
	v17 =	vadd.f32 $3.333333430e-01, v17  }
0x78: {  	(erf) = vrcp.f32 v23;
	v21 =	vadd.f32 $1.428571490e-01, v21;
	v23 =	vadd.f32 $1.111111120e-01, v24  }
0x79: {  	v10 =	vadd.f32 v10, v10;
	v11 =	vmul.f32 v17, v11;
	v24 =	vsel vm1, $0xFFFFFF82, v2  }
0x7a: {  	v17 =	vmul.f32 v21, v19;
	v7 =	vadd.s32 v7, v24;
	v21 =	vmul.f32 v23, v22  }
0x7b: {  	v14 =	vmul.f32 $6.931471820e-01, v14;
	v11 =	vadd.f32 $1.000000000e+00, v11;
	v7 =	vcvt.s32.f32 v7  }
0x7c: {  	v12 =	vmul.f32 v13, v12;
	v13 =	vadd.f32 $2.000000030e-01, v17;
	v17 =	vadd.f32 $1.428571490e-01, v21  }
0x7d: {  	vm2 =	vmmov vm2;
	v10 =	vmul.f32 v11, v10;
	v7 =	vmul.f32 $6.931471820e-01, v7  }
0x7e: {  	v11 =	vadd.f32 v12, v14;
	v12 =	vmul.f32 v13, v19;
	v13 =	vmul.f32 v17, v22  }
0x7f: {  	v8 =	vshra.s32 v8, $0x17;
	vm1 =	vmmov vm15;
	v7 =	vadd.f32 v10, v7  }
0x80: {  	vm1 =	vmmov vm1;
	v10 =	vadd.f32 $-1.000000000e+00, v20;
	v13 =	vadd.f32 $2.000000030e-01, v13  }
0x81: {  	v9 =	vshra.s32 v9, $0x17;
	v14 =	vpop (erf);
	v12 =	vadd.f32 $3.333333430e-01, v12;
	v17 =	vsel vm1, $0xFFFFFF82, v2  }
0x82: {  	vm1 =	vmmov vm2;
	v10 =	vmul.f32 v14, v10;
	v13 =	vmul.f32 v13, v22  }
0x83: {  	v8 =	vadd.s32 v8, v17;
	v12 =	vmul.f32 v12, v19;
	vm1 =	vmmov vm1  }
0x84: {  	v14 =	vadd.f32 v18, v18;
	v17 =	vmul.f32 v10, v10;
	v13 =	vadd.f32 $3.333333430e-01, v13  }
0x85: {  	v8 =	vcvt.s32.f32 v8;
	v19 =	vsel vm1, $0xFFFFFF82, v2;
	v12 =	vadd.f32 $1.000000000e+00, v12  }
0x86: {  	v9 =	vadd.s32 v9, v19;
	v18 =	vmul.f32 $9.090909360e-02, v17;
	v13 =	vmul.f32 v13, v22  }
0x87: {  	v15 =	vadd.f32 v15, v15;
	v8 =	vmul.f32 $6.931471820e-01, v8;
	v9 =	vcvt.s32.f32 v9  }
0x88: {  	(xrf2) =	vadd.scan.msk.f32 $0xffff, v11;
	v12 =	vmul.f32 v12, v14;
	v14 =	vadd.f32 $1.111111120e-01, v18;
	v13 =	vadd.f32 $1.000000000e+00, v13  }
0x89: {  	v9 =	vmul.f32 $6.931471820e-01, v9  }
0x8a: {  	(xrf2) =	vadd.scan.msk.f32 $0xffff, v7;
	v8 =	vadd.f32 v12, v8;
	v14 =	vmul.f32 v14, v17;
	v12 =	vmul.f32 v13, v15;
	_ =	sdelay $0x1  }
0x8b: {  	(xrf2) =	vadd.scan.msk.f32 $0xffff, v8;
	v13 =	vadd.f32 $1.428571490e-01, v14;
	v9 =	vadd.f32 v12, v9;
	_ =	sdelay $0x1  }
0x8c: {  	v12 =	vmul.f32 v13, v17;
	(xrf2) =	vadd.scan.msk.f32 $0xffff, v9;
	_ =	sdelay $0x1  }
0x8d: {  	v13, _, _ =	vpop (xrf2);
	v12 =	vadd.f32 $2.000000030e-01, v12  }
0x8e: {  	(v2sf) =	vpush v13, $0xF  }
0x8f: {  	v14, _, _ =	vpop (xrf2);
	v12 =	vmul.f32 v12, v17  }
0x90: {  	vm1 =	vmmov vm3;
	(v2sf) =	vpush v14, $0xF  }
0x91: {  	vm1 =	vmmov vm1;
	v15, _, _ =	vpop (xrf2);
	v12 =	vadd.f32 $3.333333430e-01, v12  }
0x92: {  	vm1 =	vmmov vm1;
	(v2sf) =	vpush v15, $0xF  }
0x93: {  	v16 =	vshra.s32 v16, $0x17;
	v19 =	vsel vm1, $0xFFFFFF82, v2;
	v18, _, _ =	vpop (xrf2);
	v12 =	vmul.f32 v12, v17  }
0x94: {  	v16 =	vadd.s32 v16, v19;
	(v2sf) =	vpush v18, $0xF  }
0x95: {  	v10 =	vadd.f32 v10, v10;
	v16 =	vcvt.s32.f32 v16;
	v12 =	vadd.f32 $1.000000000e+00, v12;
	v17, _, _ =	vpop (xrf2)  }
0x96: {  	(v2sf) =	vpush v17, $0xF  }
0x97: {  	v16 =	vmul.f32 $6.931471820e-01, v16;
	v10 =	vmul.f32 v12, v10;
	_ =	sdelay $0x1  }
0x98: {  	v10 =	vadd.f32 v10, v16;
	_ =	sdelay $0x1  }
0x99: {  	s26 =	spop (v2sf);
	(xrf2) =	vadd.scan.msk.f32 $0xffff, v10  }
0x9a: {  	s26 =	sadd.f32 s26, s25  }
0x9b: {  	s28 =	spop (v2sf)  }
0x9c: {  	s28 =	sadd.f32 s28, s26  }
0x9d: {  	s29 =	spop (v2sf)  }
0x9e: {  	s29 =	sadd.f32 s29, s28  }
0x9f: {  	v5 =	vsub.f32 v13, v5;
	s30 =	spop (v2sf)  }
0xa0: {  	v6 =	vadd.f32 s25, v6;
	v11 =	vsub.f32 v14, v11;
	s25 =	sadd.f32 s30, s29  }
0xa1: {  	v5 =	vadd.f32 s26, v5;
	v7 =	vsub.f32 v15, v7;
	s31 =	spop (v2sf)  }
0xa2: {  	[tilespmem:s18+$0x800] =	vst v6;
	v8 =	vsub.f32 v18, v8;
	v6 =	vadd.f32 s28, v11;
	s28 =	sadd.f32 s31, s25  }
0xa3: {  	[tilespmem:s19+$0x800] =	vst v5;
	v5 =	vadd.f32 s29, v7;
	v7 =	vsub.f32 v17, v9;
	v9, _, _ =	vpop (xrf2);
	s30 =	spop (v2sf)  }
0xa4: {  	[tilespmem:s20+$0x800] =	vst v6;
	v6 =	vadd.f32 s25, v8;
	v8 =	vsub.f32 v9, v10;
	s19 =	sadd.f32 s30, s28  }
0xa5: {  	[tilespmem:s21+$0x800] =	vst v5;
	v5 =	vadd.f32 s28, v7  }
0xa6: {  	[tilespmem:s22+$0x800] =	vst v6;
	v6 =	vadd.f32 s19, v8  }
0xa7: {  	[tilespmem:s23+$0x800] =	vst v5  }
0xa8: {  	[tilespmem:s24+$0x800] =	vst v6  }
0xa9: {  	v5 =	vld [tilespmem:$0x1000]  }
0xaa: {  	(v2sf) =	vpush v9, $0xF;
	_ =	sdelay $0x3  }
0xab: {  	v6 =	vsub.s32 v5, v0  }
0xac: {  	vm1 =	vgt.s32 v6, $0x0  }
0xad: {  	v6 =	vnsel vm1, $0x0, v6  }
0xae: {  	v6 =	vmin.u32 v6, $0x7FF;
	_ =	sdelay $0x4  }
0xaf: {  	v6 =	vld.idx.msk [tilespmem:v6+s12+$0x0], $0xffff;
	_ =	sdelay $0x2  }
0xb0: {  	vm2 =	vlt.s32 v5, v1;
	vm1 =	vge.s32 v5, v0;
	s31 =	spop (v2sf)  }
0xb1: {  	vm1 =	vmand vm1, vm2;
	s18 =	sadd.f32 s31, s19  }
0xb2: {  	v6 =	vnsel vm1, $0x0, v6  }
0xb3: {  	[tilespmem:$0x1080] =	vst v6;
	v6 =	vmov s18  }
0xb4: {  	[tilespmem:$0x1100] =	vst v6  }
0xb5: {  	[hbm4b:s7+s3] =	stream.linear.scatter [tilespmem:s13], [sflag:$0x1], $0x100, $0x38;
	[tilespmem:$0x2300] =	vst v63  }
0xb6: {  	_ =	swait.ge [sflag:s10], $0x100  }
0xb7: {  	[sflag:s10] =	ssyncset.done $0x0  }
0xb8: {  	[sflag:s10] =	ssyncadd.s32 $0xFFFFFF00  }
0xb9: {  	[bflag:$0x0] =	sbarrier.arrive $0xFFFF  }
0xba: {  	[tilespmem:s14], [sflag:$0x1] =	stream.linear.gather [hbm4b:s4+s3], $0x1000, $0x38;
	[tilespmem:$0x2300] =	vst v63  }
0xbb: {  	_ =	swait.ge [sflag:s10], $0x1000  }
0xbc: {  	[sflag:s10] =	ssyncset.done $0x0  }
0xbd: {  	[sflag:s10] =	ssyncadd.s32 $0xFFFFF000  }
0xbe: {  	v6 =	vld [tilespmem:$0x1180];
	_ =	sdelay $0x1  }
0xbf: {  	v7 =	vld [tilespmem:$0x1280];
	_ =	sdelay $0x1  }
0xc0: {  	v8 =	vld [tilespmem:$0x1380]  }
0xc1: {  	v6 =	vadd.f32 $0.0e+00, v6  }
0xc2: {  	v9 =	vld [tilespmem:$0x1480]  }
0xc3: {  	v6 =	vadd.f32 v7, v6  }
0xc4: {  	v7 =	vld [tilespmem:$0x1580]  }
0xc5: {  	v6 =	vadd.f32 v8, v6  }
0xc6: {  	v8 =	vld [tilespmem:$0x1680]  }
0xc7: {  	v6 =	vadd.f32 v9, v6  }
0xc8: {  	v9 =	vld [tilespmem:$0x1780]  }
0xc9: {  	v6 =	vadd.f32 v7, v6  }
0xca: {  	v7 =	vld [tilespmem:$0x1880]  }
0xcb: {  	v6 =	vadd.f32 v8, v6  }
0xcc: {  	v8 =	vld [tilespmem:$0x1980]  }
0xcd: {  	v6 =	vadd.f32 v9, v6  }
0xce: {  	v9 =	vld [tilespmem:$0x1A80]  }
0xcf: {  	v6 =	vadd.f32 v7, v6  }
0xd0: {  	v7 =	vld [tilespmem:$0x1B80]  }
0xd1: {  	v6 =	vadd.f32 v8, v6  }
0xd2: {  	v8 =	vld [tilespmem:$0x1C80]  }
0xd3: {  	v6 =	vadd.f32 v9, v6  }
0xd4: {  	v9 =	vld [tilespmem:$0x1D80]  }
0xd5: {  	v6 =	vadd.f32 v7, v6  }
0xd6: {  	v7 =	vld [tilespmem:$0x1E80]  }
0xd7: {  	v6 =	vadd.f32 v8, v6  }
0xd8: {  	v8 =	vld [tilespmem:$0x1F80]  }
0xd9: {  	v6 =	vadd.f32 v9, v6  }
0xda: {  	v9 =	vld [tilespmem:$0x2080]  }
0xdb: {  	v6 =	vadd.f32 v7, v6;
	_ =	sdelay $0x1  }
0xdc: {  	v6 =	vadd.f32 v8, v6;
	_ =	sdelay $0x1  }
0xdd: {  	v7 =	vshra.s32 v5, $0xB;
	v8 =	vld [tilespmem:$0x1200];
	v6 =	vadd.f32 v9, v6  }
0xde: {  	[tilespmem:$0x2180] =	vst v7  }
0xdf: {  	v9 =	vld.idx.msk [tilespmem:v3+s15+$0x0], $0xffff;
	[tilespmem:$0x2200] =	vst v6  }
0xe0: {  	v10 =	vld.idx.msk [tilespmem:v3+s16+$0x0], $0xffff;
	_ =	sdelay $0x1  }
0xe1: {  	v14 =	vld [tilespmem:$0x1FFD0];
	v8 =	vadd.f32 $0.0e+00, v8  }
0xe2: {  	vm1 =	veq.s32 v4, $0xF  }
0xe3: {  	vm2 =	vlt.s32 v7, $0x1;
	v11 =	vld.msk [tilespmem:$0x1300 ss:$0x0], $0xffff;
	v9 =	vsel vm1, $0x10, v9;
	v12 =	vbroadcast v8, $0x0  }
0xe4: {  	vm3 =	vgt.s32 v9, $0x0;
	v8 =	vsel vm1, $0x0, v10;
	vm1 =	vmand vm14, vm2  }
0xe5: {  	v13 =	vnsel vm1, $0x0, v12;
	vm1 =	vmand vm2, vm3  }
0xe6: {  	vm2 =	vlt.s32 v7, $0x2;
	v12 =	vnsel vm1, $0x0, v12;
	vm1 =	vnez.u8 v14  }
0xe7: {  	vm1 =	vmand vm1, vm2  }
0xe8: {  	v14 =	vnsel vm1, $0x0, v11  }
0xe9: {  	v13 =	vadd.f32 v14, v13;
	v14 =	vld [tilespmem:$0x1FFE0];
	_ =	sdelay $0x2  }
0xea: {  	v10 =	vld.msk [tilespmem:$0x1400 ss:$0x0], $0xffff;
	vm3 =	vgt.s32 v9, $0x1  }
0xeb: {  	vm1 =	vmand vm2, vm3  }
0xec: {  	v11 =	vnsel vm1, $0x0, v11;
	vm1 =	vnez.u8 v14;
	v14 =	vld [tilespmem:$0x1FFF0]  }
0xed: {  	vm2 =	vlt.s32 v7, $0x3  }
0xee: {  	v15 =	vld.msk [tilespmem:$0x1500 ss:$0x0], $0xffff;
	vm1 =	vmand vm1, vm2  }
0xef: {  	v11 =	vadd.f32 v11, v12;
	v12 =	vnsel vm1, $0x0, v10;
	vm1 =	vgt.s32 v9, $0x2  }
0xf0: {  	v12 =	vadd.f32 v12, v13;
	vm1 =	vmand vm2, vm1  }
0xf1: {  	vm2 =	vlt.s32 v7, $0x4;
	v13 =	vld.msk [tilespmem:$0x1600 ss:$0x0], $0xffff;
	v10 =	vnsel vm1, $0x0, v10;
	vm1 =	vnez.u8 v14  }
0xf2: {  	vm3 =	vgt.s32 v9, $0x3;
	vm1 =	vmand vm1, vm2  }
0xf3: {  	v10 =	vadd.f32 v10, v11;
	v14 =	vld.msk [tilespmem:$0x1700 ss:$0x0], $0xffff;
	v11 =	vnsel vm1, $0x0, v15;
	vm1 =	vmand vm2, vm3  }
0xf4: {  	v11 =	vadd.f32 v11, v12;
	v12 =	vnsel vm1, $0x0, v15;
	vm1 =	vlt.s32 v7, $0x5  }
0xf5: {  	vm3 =	vgt.s32 v9, $0x4;
	v10 =	vadd.f32 v12, v10;
	vm2 =	vmand vm4, vm1  }
0xf6: {  	v15 =	vld.msk [tilespmem:$0x1800 ss:$0x0], $0xffff;
	vm1 =	vmand vm1, vm3;
	v12 =	vnsel vm2, $0x0, v13;
	vm2 =	vlt.s32 v7, $0x6  }
0xf7: {  	v11 =	vadd.f32 v12, v11;
	v12 =	vnsel vm1, $0x0, v13;
	vm1 =	vmand vm5, vm2  }
0xf8: {  	v10 =	vadd.f32 v12, v10;
	v12 =	vnsel vm1, $0x0, v14;
	vm1 =	vgt.s32 v9, $0x5  }
0xf9: {  	v11 =	vadd.f32 v12, v11;
	vm1 =	vmand vm2, vm1;
	vm2 =	vlt.s32 v7, $0x7;
	v12 =	vld.msk [tilespmem:$0x1900 ss:$0x0], $0xffff  }
0xfa: {  	vm3 =	vgt.s32 v9, $0x6;
	v13 =	vnsel vm1, $0x0, v14;
	vm1 =	vmand vm6, vm2  }
0xfb: {  	v14 =	vld.msk [tilespmem:$0x1A00 ss:$0x0], $0xffff;
	v10 =	vadd.f32 v13, v10;
	v13 =	vnsel vm1, $0x0, v15;
	vm1 =	vmand vm2, vm3  }
0xfc: {  	v11 =	vadd.f32 v13, v11;
	v13 =	vnsel vm1, $0x0, v15;
	vm1 =	vlt.s32 v7, $0x8  }
0xfd: {  	vm3 =	vgt.s32 v9, $0x7;
	v10 =	vadd.f32 v13, v10;
	vm2 =	vmand vm7, vm1  }
0xfe: {  	v15 =	vld.msk [tilespmem:$0x1B00 ss:$0x0], $0xffff;
	vm1 =	vmand vm1, vm3;
	v13 =	vnsel vm2, $0x0, v12;
	vm2 =	vlt.s32 v7, $0x9  }
0xff: {  	v12 =	vnsel vm1, $0x0, v12;
	v11 =	vadd.f32 v13, v11;
	vm1 =	vmand vm8, vm2  }
0x100: {  	v10 =	vadd.f32 v12, v10;
	v12 =	vnsel vm1, $0x0, v14;
	vm1 =	vgt.s32 v9, $0x8  }
0x101: {  	v11 =	vadd.f32 v12, v11;
	vm1 =	vmand vm2, vm1;
	vm2 =	vlt.s32 v7, $0xA;
	v12 =	vld.msk [tilespmem:$0x1C00 ss:$0x0], $0xffff  }
0x102: {  	vm3 =	vgt.s32 v9, $0x9;
	v13 =	vnsel vm1, $0x0, v14;
	vm1 =	vmand vm9, vm2  }
0x103: {  	v14 =	vld.msk [tilespmem:$0x1D00 ss:$0x0], $0xffff;
	v10 =	vadd.f32 v13, v10;
	v13 =	vnsel vm1, $0x0, v15;
	vm1 =	vmand vm2, vm3  }
0x104: {  	v11 =	vadd.f32 v13, v11;
	v13 =	vnsel vm1, $0x0, v15;
	vm1 =	vlt.s32 v7, $0xB  }
0x105: {  	vm3 =	vgt.s32 v9, $0xA;
	v10 =	vadd.f32 v13, v10;
	vm2 =	vmand vm10, vm1  }
0x106: {  	v15 =	vld.msk [tilespmem:$0x1E00 ss:$0x0], $0xffff;
	vm1 =	vmand vm1, vm3;
	v13 =	vnsel vm2, $0x0, v12;
	vm2 =	vlt.s32 v7, $0xC  }
0x107: {  	v12 =	vnsel vm1, $0x0, v12;
	v11 =	vadd.f32 v13, v11;
	vm1 =	vmand vm11, vm2  }
0x108: {  	v10 =	vadd.f32 v12, v10;
	v12 =	vnsel vm1, $0x0, v14;
	vm1 =	vgt.s32 v9, $0xB  }
0x109: {  	v11 =	vadd.f32 v12, v11;
	vm1 =	vmand vm2, vm1;
	vm2 =	vlt.s32 v7, $0xD;
	v12 =	vld.msk [tilespmem:$0x1F00 ss:$0x0], $0xffff  }
0x10a: {  	vm3 =	vgt.s32 v9, $0xC;
	v13 =	vnsel vm1, $0x0, v14;
	vm1 =	vmand vm12, vm2  }
0x10b: {  	v14 =	vld.msk [tilespmem:$0x2000 ss:$0x0], $0xffff;
	v10 =	vadd.f32 v13, v10;
	v13 =	vnsel vm1, $0x0, v15;
	vm1 =	vmand vm2, vm3  }
0x10c: {  	vm2 =	vgt.s32 v9, $0xD;
	v15 =	vnsel vm1, $0x0, v15;
	vm1 =	vlt.s32 v7, $0xE  }
0x10d: {  	v11 =	vadd.f32 v13, v11;
	v13 =	vld.msk [tilespmem:$0x2100 ss:$0x0], $0xffff;
	v10 =	vadd.f32 v15, v10;
	vm2 =	vmand vm1, vm2  }
0x10e: {  	vm3 =	vgt.s32 v9, $0xE;
	v15 =	vnsel vm2, $0x0, v12;
	vm2 =	vlt.s32 v7, $0xF  }
0x10f: {  	vm15 =	vgt.s32 v9, $0xF;
	v10 =	vadd.f32 v15, v10;
	vm3 =	vmand vm2, vm3  }
0x110: {  	vm1 =	vmand vm13, vm1;
	v15 =	vnsel vm3, $0x0, v14;
	vm3 =	vlt.s32 v7, $0x10  }
0x111: {  	v7 =	vnsel vm1, $0x0, v12;
	vm1 =	vmand vm3, vm15;
	v9 =	vadd.f32 v15, v10  }
0x112: {  	v8 =	vsub.f32 v8, v6;
	v10 =	vnsel vm1, $0x0, v13  }
0x113: {  	v7 =	vadd.f32 v7, v11;
	vm1 =	vmand vm0, vm2;
	v9 =	vadd.f32 v10, v9  }
0x114: {  	v21 =	vbroadcast v5, $0x1;
	v11 =	vnsel vm1, $0x0, v14  }
0x115: {  	v16 =	vbroadcast v5, $0x6;
	v7 =	vadd.f32 v11, v7;
	v8 =	vadd.f32 v9, v8  }
0x116: {  	v18 =	vbroadcast v5, $0x7;
	v20 =	vbroadcast v5, $0x8  }
0x117: {  	v23 =	vbroadcast v5, $0x9;
	v7 =	vadd.f32 $0.0e+00, v7;
	v8 =	vmul.f32 $1.442695020e+00, v8  }
0x118: {  	v25 =	vbroadcast v5, $0xA;
	v12 =	vbroadcast v5, $0x4  }
0x119: {  	v10 =	vbroadcast v5, $0x3;
	v35 =	vsub.f32 v7, v6;
	(erf) = vpow2.f32 v8  }
0x11a: {  	v14 =	vbroadcast v5, $0x5;
	v8 =	vbroadcast v5, $0x2  }
0x11b: {  	v6 =	vbroadcast v35, $0x0;
	v7 =	vbroadcast v35, $0x1  }
0x11c: {  	v9 =	vbroadcast v35, $0x2;
	v11 =	vbroadcast v35, $0x3  }
0x11d: {  	v36 =	vor.u32 s5, v4;
	v13 =	vbroadcast v35, $0x4;
	v15 =	vbroadcast v35, $0x5  }
0x11e: {  	vm1 =	vlt.s32 v36, v21;
	v17 =	vbroadcast v35, $0x6;
	v19 =	vbroadcast v35, $0x7  }
0x11f: {  	v22 =	vbroadcast v35, $0x8;
	v26 =	vsel vm1, v6, v7;
	vm1 =	vlt.s32 v36, v8  }
0x120: {  	v24 =	vbroadcast v35, $0x9;
	v27 =	vsel vm1, v26, v9;
	vm1 =	vlt.s32 v36, v10  }
0x121: {  	v26 =	vbroadcast v35, $0xA;
	v28 =	vsel vm1, v27, v11;
	vm1 =	vlt.s32 v36, v12  }
0x122: {  	v27 =	vbroadcast v5, $0xB;
	v30 =	vsel vm1, v28, v13;
	vm1 =	vlt.s32 v36, v14;
	v29 =	vpop (erf)  }
0x123: {  	s19 =	simm.s32 @!p1 $0x2280;
	s18 =	simm.s32 @!p1 $0x0;
	v28 =	vbroadcast v35, $0xB;
	v30 =	vsel vm1, v30, v15;
	vm1 =	vlt.s32 v36, v16;
	[tilespmem:$0x2280] =	vst v29  }
0x124: {  	v31 =	vsel vm1, v30, v17;
	vm1 =	vlt.s32 v36, v18;
	v30 =	vbroadcast v35, $0xC;
	[hbm4b:s2+s18] =	stream.linear.scatter @!p1 [tilespmem:s19], [sflag:$0x1], $0x80, $0x38;
	[tilespmem:$0x2300] =	vst v63  }
0x125: {  	v32 =	vsel vm1, v31, v19;
	vm1 =	vlt.s32 v36, v20;
	v31 =	vbroadcast v5, $0xD;
	s18 =	simm.s32 @!p1 $0x1  }
0x126: {  	v29 =	vbroadcast v5, $0xC;
	v33 =	vsel vm1, v32, v22;
	vm1 =	vlt.s32 v36, v23;
	_ =	swait.ge @!p1 [sflag:s18], $0x80  }
0x127: {  	v32 =	vbroadcast v35, $0xD;
	v34 =	vsel vm1, v33, v24;
	vm1 =	vlt.s32 v36, v25;
	[sflag:s18] =	ssyncset.done @!p1 $0x0  }
0x128: {  	v33 =	vbroadcast v5, $0xE;
	v37 =	vsel vm1, v34, v26;
	vm1 =	vlt.s32 v36, v27;
	[sflag:s18] =	ssyncadd.s32 @!p1 $0xFFFFFF80;
	s18 =	simm.s32 $0x0  }
0x129: {  	v5 =	vbroadcast v5, $0xF;
	v37 =	vsel vm1, v37, v28;
	vm1 =	vlt.s32 v36, v29;
	v38 =	vld [tilespmem:s18+$0x800]  }
0x12a: {  	v34 =	vbroadcast v35, $0xE;
	v37 =	vsel vm1, v37, v30;
	vm1 =	vlt.s32 v36, v31  }
0x12b: {  	v35 =	vbroadcast v35, $0xF;
	v37 =	vsel vm1, v37, v32;
	vm1 =	vlt.s32 v36, v33  }
0x12c: {  	v37 =	vsel vm1, v37, v34;
	vm1 =	vlt.s32 v36, v5  }
0x12d: {  	v36 =	vsel vm1, v37, v35  }
0x12e: {  	v36 =	vadd.f32 v38, v36;
	_ =	sdelay $0x1  }
0x12f: {  	s20 =	sadd.s32 $0x10, s5;
	v37 =	vmul.f32 $1.442695020e+00, v36  }
0x130: {  	s21 =	simm.s32 $0x80;
	s19 =	simm.s32 $0x40;
	v36 =	vor.u32 s20, v4  }
.LBB2_4:
0x131: {  	p3 =	sne.s32 s21, $0x1FC0;
	vm1 =	vlt.s32 v36, v21;
	(erf) = vpow2.f32 v37  }
0x132: {  	v37 =	vsel vm1, v6, v7;
	vm1 =	vlt.s32 v36, v8  }
0x133: {  	v37 =	vsel vm1, v37, v9;
	vm1 =	vlt.s32 v36, v10  }
0x134: {  	v37 =	vsel vm1, v37, v11;
	vm1 =	vlt.s32 v36, v12  }
0x135: {  	v37 =	vsel vm1, v37, v13;
	vm1 =	vlt.s32 v36, v14  }
0x136: {  	v37 =	vsel vm1, v37, v15;
	vm1 =	vlt.s32 v36, v16  }
0x137: {  	v37 =	vsel vm1, v37, v17;
	vm1 =	vlt.s32 v36, v18  }
0x138: {  	v37 =	vsel vm1, v37, v19;
	vm1 =	vlt.s32 v36, v20  }
0x139: {  	v37 =	vsel vm1, v37, v22;
	vm1 =	vlt.s32 v36, v23  }
0x13a: {  	v37 =	vsel vm1, v37, v24;
	vm1 =	vlt.s32 v36, v25;
	v38 =	vpop (erf)  }
0x13b: {  	v37 =	vsel vm1, v37, v26;
	vm1 =	vlt.s32 v36, v27;
	[tilespmem:s18+$0x800] =	vst v38;
	s18 =	sshra.s32 s19, $0x2;
	s19 =	smov.u32 s21  }
0x13c: {  	v38 =	vld [tilespmem:s18+$0x800];
	v37 =	vsel vm1, v37, v28;
	vm1 =	vlt.s32 v36, v29  }
0x13d: {  	v37 =	vsel vm1, v37, v30;
	vm1 =	vlt.s32 v36, v31  }
0x13e: {  	v37 =	vsel vm1, v37, v32;
	vm1 =	vlt.s32 v36, v33  }
0x13f: {  	v37 =	vsel vm1, v37, v34;
	vm1 =	vlt.s32 v36, v5  }
.Ltmp1:
0x140: {  	v36 =	vsel vm1, v37, v35;
	(pc) =	sbr.rel @p3 .LBB2_4-.Ltmp1, $3  }
0x141: {  	v36 =	vadd.f32 v38, v36;
	_ =	sdelay $0x1  }
0x142: {  	s20 =	sadd.s32 $0x10, s20;
	v37 =	vmul.f32 $1.442695020e+00, v36  }
0x143: {  	s21 =	sadd.s32 $0x40, s21;
	v36 =	vor.u32 s20, v4  }
0x144: {  	vm1 =	vlt.s32 v36, v21;
	(erf) = vpow2.f32 v37  }
0x145: {  	v6 =	vsel vm1, v6, v7;
	vm1 =	vlt.s32 v36, v8  }
0x146: {  	v6 =	vsel vm1, v6, v9;
	vm1 =	vlt.s32 v36, v10  }
0x147: {  	v6 =	vsel vm1, v6, v11;
	vm1 =	vlt.s32 v36, v12  }
0x148: {  	v6 =	vsel vm1, v6, v13;
	vm1 =	vlt.s32 v36, v14  }
0x149: {  	v6 =	vsel vm1, v6, v15;
	vm1 =	vlt.s32 v36, v16  }
0x14a: {  	v6 =	vsel vm1, v6, v17;
	vm1 =	vlt.s32 v36, v18  }
0x14b: {  	v6 =	vsel vm1, v6, v19;
	vm1 =	vlt.s32 v36, v20  }
0x14c: {  	v6 =	vsel vm1, v6, v22;
	vm1 =	vlt.s32 v36, v23  }
0x14d: {  	v6 =	vsel vm1, v6, v24;
	vm1 =	vlt.s32 v36, v25;
	v7 =	vpop (erf)  }
0x14e: {  	s19 =	sshra.s32 s19, $0x2;
	v6 =	vsel vm1, v6, v26;
	vm1 =	vlt.s32 v36, v27;
	[tilespmem:s18+$0x800] =	vst v7  }
0x14f: {  	v7 =	vld [tilespmem:s19+$0x800];
	v6 =	vsel vm1, v6, v28;
	vm1 =	vlt.s32 v36, v29  }
0x150: {  	v6 =	vsel vm1, v6, v30;
	vm1 =	vlt.s32 v36, v31  }
0x151: {  	v6 =	vsel vm1, v6, v32;
	vm1 =	vlt.s32 v36, v33  }
0x152: {  	v6 =	vsel vm1, v6, v34;
	vm1 =	vlt.s32 v36, v5  }
0x153: {  	v5 =	vsel vm1, v6, v35  }
0x154: {  	v5 =	vadd.f32 v7, v5;
	_ =	sdelay $0x1  }
0x155: {  	v5 =	vmul.f32 $1.442695020e+00, v5;
	_ =	sdelay $0x1  }
0x156: {  	(erf) = vpow2.f32 v5;
	_ =	sdelay $0x8  }
0x157: {  	s17 =	sadd.s32 $0x1, s17;
	v5 =	vpop (erf)  }
0x158: {  	p3 =	sne.s32 s17, s9;
	s18 =	simm.s32 @!p2 $0x0;
	[tilespmem:s19+$0x800] =	vst v5;
	s19 =	simm.s32 @!p2 $0x800  }
0x159: {  	[hbm4b:s8+s18] =	stream.linear.scatter @!p2 [tilespmem:s19], [sflag:$0x1], $0x800, $0x38;
	[tilespmem:$0x2300] =	vst v63  }
.Ltmp2:
0x15a: {  	_ = 	snop;
	(pc) =	sbr.rel @p3 .LBB2_1-.Ltmp2, $4  }
0x15b: {  	s18 =	simm.s32 @!p2 $0x1  }
0x15c: {  	_ =	swait.ge @!p2 [sflag:s18], $0x800  }
0x15d: {  	[sflag:s18] =	ssyncset.done @!p2 $0x0  }
0x15e: {  	[sflag:s18] =	ssyncadd.s32 @!p2 $0xFFFFF800  }
0x15f: {  	_ =	sfence.sel $0x180000  }
0x160: {  	[bflag:$0x0] =	sbarrier.arrive $0xFFFF  }
0x161: {  	_ =	strace $0x90000047  }
0x162: {  	s0 =	sadd.s32 @!p0 $0x100000, s1;
	[bflag:$0x2] =	sbarrier.arrive $0xFFFF  }
0x163: {  	[sflag:s0] =	ssyncadd.tile.s32 @!p0 $0x1;
	_ =	shalt  }
.Lfunc_end2:
_tile_overlayer_lowered:
.L_overlay_start_2:
0x164: {  	(tag) =	ssettag $0x2  }
0x165: {  	s0 =	rddreg [dreg:$0x0];
	s2 =	stileid.u32  }
0x166: {  	s1 =	rddreg [dreg:$0x1];
	p0 =	sne.s32 s2, $0x0  }
0x167: {  	s3 =	rddreg [dreg:$0x2];
	[bflag:$0x3] =	sbarrier.arrive $0xFFFF;
	s2 =	simm.s32 @!p0 $0x1C01  }
0x168: {  	[timem:s3], [sflag:s2] =	dma.local @!p0 [hbm:s0], s1  }
0x169: {  	s0 =	simm.s32 @!p0 $0x1  }
0x16a: {  	_ =	swait.ge @!p0 [sflag:s0], s1  }
0x16b: {  	s1 =	ssub.s32 @!p0 $0x0, s1;
	[sflag:s0] =	ssyncset.done @!p0 $0x0  }
0x16c: {  	[sflag:s0] =	ssyncadd.s32 @!p0 s1  }
0x16d: {  	[bflag:$0x3] =	sbarrier.arrive $0xFFFF  }
0x16e: {  	_ =	shalt  }

</sc_bundles>
